<compile_context>
chip_gen: v7x
topology: tpu7x:2x2x1
jax: 0.10.2.dev20260603
libtpu: 0.0.44.dev20260713+nightly
codegen_flags: <defaults>
</compile_context>

<pallas_src>
import jax
import jax.numpy as jnp
from jax import lax
from jax.experimental import pallas as pl
from jax.experimental.pallas import tpu as pltpu
from jax.experimental.pallas import tpu_sc as plsc

EMBED_D = 128
NUM_CORES = 2
NUM_SUBCORES = 16
NUM_WORKERS = NUM_CORES * NUM_SUBCORES
CHUNK = 128
NBUF = 5
AHEAD = 3


def _gather_body(x_hbm, table_hbm, out_hbm, idx_v, rows, sem_g, sem_s):
    wid = lax.axis_index("s") * NUM_CORES + lax.axis_index("c")
    n_chunks = idx_v.shape[0]
    row0 = wid * n_chunks
    pltpu.sync_copy(x_hbm.at[pl.ds(row0, n_chunks)], idx_v)

    def start_gather(i, b):
        pltpu.async_copy(table_hbm.at[idx_v.at[i]], rows[b], sem_g[b])

    def wait_gather(b):
        pltpu.make_async_copy(table_hbm.at[pl.ds(0, CHUNK)], rows[b],
                              sem_g[b]).wait()

    def start_scatter(i, b):
        pltpu.async_copy(rows[b], out_hbm.at[pl.ds((row0 + i) * CHUNK, CHUNK)],
                         sem_s[b])

    def wait_scatter(b):
        pltpu.make_async_copy(rows[b], out_hbm.at[pl.ds(row0 * CHUNK, CHUNK)],
                              sem_s[b]).wait()

    for i in range(AHEAD):
        start_gather(i, i % NBUF)
    for i in range(NBUF):
        b = i % NBUF
        wait_gather(b)
        start_scatter(i, b)
        nxt = i + AHEAD
        if nxt < NBUF:
            start_gather(nxt, nxt % NBUF)
        else:
            wait_scatter(nxt % NBUF)
            start_gather(nxt, nxt % NBUF)

    def outer(jj, carry):
        i0 = jj * NBUF
        for b in range(NBUF):
            i = i0 + b
            wait_gather(b)
            start_scatter(i, b)
            wait_scatter((b + AHEAD) % NBUF)
            start_gather(i + AHEAD, (b + AHEAD) % NBUF)
        return carry

    lax.fori_loop(1, n_chunks // NBUF - 1, outer, 0)

    n_static = idx_v.shape[0]
    for i in range(n_static - NBUF, n_static):
        b = i % NBUF
        wait_gather(b)
        start_scatter(i, b)
        nxt = i + AHEAD
        if nxt < n_static:
            wait_scatter(nxt % NBUF)
            start_gather(nxt, nxt % NBUF)
    for b in range(NBUF):
        wait_scatter(b)


def kernel(x, embeddings):
    b, h = x.shape
    n = b * h
    x2d = x.reshape(n // CHUNK, CHUNK)
    n_chunks = n // (NUM_WORKERS * CHUNK)
    run = pl.kernel(
        _gather_body,
        out_type=jax.ShapeDtypeStruct((n, EMBED_D), jnp.float32),
        mesh=plsc.VectorSubcoreMesh(core_axis_name="c", subcore_axis_name="s"),
        scratch_types=[
            pltpu.VMEM((n_chunks, CHUNK), jnp.int32),
            [pltpu.VMEM((CHUNK, EMBED_D), jnp.float32) for _ in range(NBUF)],
            [pltpu.SemaphoreType.DMA for _ in range(NBUF)],
            [pltpu.SemaphoreType.DMA for _ in range(NBUF)],
        ],
    )
    out = run(x2d, embeddings)
    return out.reshape(b, h, EMBED_D)

# --- scband reference (transcript-rebuilt; emitter-appended) ---
"""Pipeline reference for scband-pretrained-embedding-22797686407238 (READ-ONLY COPY).

The authoritative reference and input builder live on the scoring server;
editing this copy changes nothing except your own understanding.
"""

import jax, jax.numpy as jnp
import numpy as np

VOCAB_SIZE = 100000
EMBEDDING_DIM = 128
BATCH = 4096
HIST_LEN = 200

def setup_inputs(seed: int = 0) -> dict:
    key = jax.random.key(seed)
    k1, k2 = jax.random.split(key)
    x = jax.random.randint(k1, (BATCH, HIST_LEN), 0, VOCAB_SIZE, dtype=jnp.int32)
    embeddings = jax.random.normal(k2, (VOCAB_SIZE, EMBEDDING_DIM), dtype=jnp.float32)
    return {"x": x, "embeddings": embeddings}

def reference(x, embeddings):
    # tf.nn.embedding_lookup(params=embeddings, ids=x)
    out = jnp.take(embeddings, x, axis=0)
    # Dropout with training=None (trainable=None) is identity at inference.
    return out

if __name__ == "__main__":
    import jax
    _d = setup_inputs()
    print(jax.jit(kernel)(*tuple(_d.values())))

</pallas_src>

<mosaic_0001>
#map = affine_map<(d0, d1) -> (0, 0)>
module attributes {stable_mosaic.version = 14 : i64} {
  func.func @_gather_body(%arg0: i32, %arg1: i32, %arg2: memref<6400x128xi32, #tpu.memory_space<hbm>>, %arg3: memref<100000x128xf32, #tpu.memory_space<hbm>>, %arg4: memref<819200x128xf32, #tpu.memory_space<hbm>>, %arg5: memref<200x128xi32, #tpu.memory_space<vmem>>, %arg6: memref<128x128xf32, #tpu.memory_space<vmem>>, %arg7: memref<128x128xf32, #tpu.memory_space<vmem>>, %arg8: memref<128x128xf32, #tpu.memory_space<vmem>>, %arg9: memref<128x128xf32, #tpu.memory_space<vmem>>, %arg10: memref<128x128xf32, #tpu.memory_space<vmem>>, %arg11: memref<!tpu.dma_semaphore, #tpu.memory_space<semaphore_mem>>, %arg12: memref<!tpu.dma_semaphore, #tpu.memory_space<semaphore_mem>>, %arg13: memref<!tpu.dma_semaphore, #tpu.memory_space<semaphore_mem>>, %arg14: memref<!tpu.dma_semaphore, #tpu.memory_space<semaphore_mem>>, %arg15: memref<!tpu.dma_semaphore, #tpu.memory_space<semaphore_mem>>, %arg16: memref<!tpu.dma_semaphore, #tpu.memory_space<semaphore_mem>>, %arg17: memref<!tpu.dma_semaphore, #tpu.memory_space<semaphore_mem>>, %arg18: memref<!tpu.dma_semaphore, #tpu.memory_space<semaphore_mem>>, %arg19: memref<!tpu.dma_semaphore, #tpu.memory_space<semaphore_mem>>, %arg20: memref<!tpu.dma_semaphore, #tpu.memory_space<semaphore_mem>>) attributes {dimension_semantics = [#tpu.dimension_semantics<core_parallel>, #tpu.dimension_semantics<subcore_parallel>], iteration_bounds = array<i64: 2, 16>, scalar_prefetch = 0 : i64, scratch_operands = 16 : i64, tpu.core_type = #tpu.core_type<sc_vector_subcore>, window_params = [{transform_indices = #map}, {transform_indices = #map}, {transform_indices = #map}]} {
    %mul3A = arith.constant 2 : i32
    %mul3A_0 = arith.muli %arg1, %mul3A : i32
    %add3A = arith.addi %mul3A_0, %arg0 : i32
    %mul3A_1 = arith.constant 200 : i32
    %mul3A_2 = arith.muli %add3A, %mul3A_1 : i32
    "tpu.region"() ({
      %run_scoped3A = tpu.sem_alloc : memref<!tpu.dma_semaphore, #tpu.memory_space<semaphore_mem>>
      %dma_start3A_276 = arith.constant 0 : i32
      %dma_start3A_277 = tpu.memref_slice %arg2[%mul3A_2, %dma_start3A_276] : memref<6400x128xi32, #tpu.memory_space<hbm>> -> memref<200x128xi32, #tpu.memory_space<hbm>>
      %dma_start3A_278 = arith.constant 0 : i32
      %dma_start3A_279 = tpu.memref_slice %arg2[%mul3A_2, %dma_start3A_278] : memref<6400x128xi32, #tpu.memory_space<hbm>> -> memref<200x128xi32, #tpu.memory_space<hbm>>
      tpu.enqueue_dma source(%dma_start3A_279 : memref<200x128xi32, #tpu.memory_space<hbm>>) target(%arg5 : memref<200x128xi32, #tpu.memory_space<vmem>>) target_semaphore(%run_scoped3A : memref<!tpu.dma_semaphore, #tpu.memory_space<semaphore_mem>>)
      %dma_wait3A_280 = arith.constant 0 : i32
      %dma_wait3A_281 = tpu.memref_slice %arg2[%mul3A_2, %dma_wait3A_280] : memref<6400x128xi32, #tpu.memory_space<hbm>> -> memref<200x128xi32, #tpu.memory_space<hbm>>
      %dma_wait3A_282 = arith.constant 0 : i32
      %dma_wait3A_283 = tpu.memref_slice %arg2[%mul3A_2, %dma_wait3A_282] : memref<6400x128xi32, #tpu.memory_space<hbm>> -> memref<200x128xi32, #tpu.memory_space<hbm>>
      tpu.wait_dma2 semaphore(%run_scoped3A : memref<!tpu.dma_semaphore, #tpu.memory_space<semaphore_mem>>) src(%dma_wait3A_283 : memref<200x128xi32, #tpu.memory_space<hbm>>) dst(%arg5 : memref<200x128xi32, #tpu.memory_space<vmem>>)
      tpu.yield
    }) : () -> ()
    %dma_start3A = arith.constant 0 : i32
    %dma_start3A_3 = arith.constant 0 : i32
    %dma_start3A_4 = tpu.memref_slice %arg5[%dma_start3A, %dma_start3A_3] : memref<200x128xi32, #tpu.memory_space<vmem>> -> memref<1x128xi32, #tpu.memory_space<vmem>>
    %dma_start3A_5 = tpu.memref_squeeze %dma_start3A_4 : memref<1x128xi32, #tpu.memory_space<vmem>> -> memref<128xi32, #tpu.memory_space<vmem>>
    %dma_start3A_6 = arith.constant 0 : i32
    %dma_start3A_7 = arith.constant 0 : i32
    %dma_start3A_8 = tpu.memref_slice %arg3[%dma_start3A_6, %dma_start3A_7] : memref<100000x128xf32, #tpu.memory_space<hbm>> -> memref<100000x128xf32, #tpu.memory_space<hbm>>
    tpu.enqueue_indirect_dma source(%dma_start3A_8 : memref<100000x128xf32, #tpu.memory_space<hbm>>) target(%arg6 : memref<128x128xf32, #tpu.memory_space<vmem>>) offsets(%dma_start3A_5 : memref<128xi32, #tpu.memory_space<vmem>>) semaphore(%arg11 : memref<!tpu.dma_semaphore, #tpu.memory_space<semaphore_mem>>)
    %dma_start3A_9 = arith.constant 1 : i32
    %dma_start3A_10 = arith.constant 0 : i32
    %dma_start3A_11 = tpu.memref_slice %arg5[%dma_start3A_9, %dma_start3A_10] : memref<200x128xi32, #tpu.memory_space<vmem>> -> memref<1x128xi32, #tpu.memory_space<vmem>>
    %dma_start3A_12 = tpu.memref_squeeze %dma_start3A_11 : memref<1x128xi32, #tpu.memory_space<vmem>> -> memref<128xi32, #tpu.memory_space<vmem>>
    %dma_start3A_13 = arith.constant 0 : i32
    %dma_start3A_14 = arith.constant 0 : i32
    %dma_start3A_15 = tpu.memref_slice %arg3[%dma_start3A_13, %dma_start3A_14] : memref<100000x128xf32, #tpu.memory_space<hbm>> -> memref<100000x128xf32, #tpu.memory_space<hbm>>
    tpu.enqueue_indirect_dma source(%dma_start3A_15 : memref<100000x128xf32, #tpu.memory_space<hbm>>) target(%arg7 : memref<128x128xf32, #tpu.memory_space<vmem>>) offsets(%dma_start3A_12 : memref<128xi32, #tpu.memory_space<vmem>>) semaphore(%arg12 : memref<!tpu.dma_semaphore, #tpu.memory_space<semaphore_mem>>)
    %dma_start3A_16 = arith.constant 2 : i32
    %dma_start3A_17 = arith.constant 0 : i32
    %dma_start3A_18 = tpu.memref_slice %arg5[%dma_start3A_16, %dma_start3A_17] : memref<200x128xi32, #tpu.memory_space<vmem>> -> memref<1x128xi32, #tpu.memory_space<vmem>>
    %dma_start3A_19 = tpu.memref_squeeze %dma_start3A_18 : memref<1x128xi32, #tpu.memory_space<vmem>> -> memref<128xi32, #tpu.memory_space<vmem>>
    %dma_start3A_20 = arith.constant 0 : i32
    %dma_start3A_21 = arith.constant 0 : i32
    %dma_start3A_22 = tpu.memref_slice %arg3[%dma_start3A_20, %dma_start3A_21] : memref<100000x128xf32, #tpu.memory_space<hbm>> -> memref<100000x128xf32, #tpu.memory_space<hbm>>
    tpu.enqueue_indirect_dma source(%dma_start3A_22 : memref<100000x128xf32, #tpu.memory_space<hbm>>) target(%arg8 : memref<128x128xf32, #tpu.memory_space<vmem>>) offsets(%dma_start3A_19 : memref<128xi32, #tpu.memory_space<vmem>>) semaphore(%arg13 : memref<!tpu.dma_semaphore, #tpu.memory_space<semaphore_mem>>)
    %dma_wait3A = arith.constant 0 : i32
    %dma_wait3A_23 = arith.constant 0 : i32
    %dma_wait3A_24 = tpu.memref_slice %arg3[%dma_wait3A, %dma_wait3A_23] : memref<100000x128xf32, #tpu.memory_space<hbm>> -> memref<128x128xf32, #tpu.memory_space<hbm>>
    %dma_wait3A_25 = arith.constant 0 : i32
    %dma_wait3A_26 = arith.constant 0 : i32
    %dma_wait3A_27 = tpu.memref_slice %arg3[%dma_wait3A_25, %dma_wait3A_26] : memref<100000x128xf32, #tpu.memory_space<hbm>> -> memref<128x128xf32, #tpu.memory_space<hbm>>
    tpu.wait_dma2 semaphore(%arg11 : memref<!tpu.dma_semaphore, #tpu.memory_space<semaphore_mem>>) src(%dma_wait3A_27 : memref<128x128xf32, #tpu.memory_space<hbm>>) dst(%arg6 : memref<128x128xf32, #tpu.memory_space<vmem>>)
    %add3A_28 = arith.constant 0 : i32
    %add3A_29 = arith.addi %mul3A_2, %add3A_28 : i32
    %mul3A_30 = arith.constant 128 : i32
    %mul3A_31 = arith.muli %add3A_29, %mul3A_30 : i32
    %dma_start3A_32 = arith.constant 0 : i32
    %dma_start3A_33 = tpu.memref_slice %arg4[%mul3A_31, %dma_start3A_32] : memref<819200x128xf32, #tpu.memory_space<hbm>> -> memref<128x128xf32, #tpu.memory_space<hbm>>
    %dma_start3A_34 = arith.constant 0 : i32
    %dma_start3A_35 = tpu.memref_slice %arg4[%mul3A_31, %dma_start3A_34] : memref<819200x128xf32, #tpu.memory_space<hbm>> -> memref<128x128xf32, #tpu.memory_space<hbm>>
    tpu.enqueue_dma source(%arg6 : memref<128x128xf32, #tpu.memory_space<vmem>>) target(%dma_start3A_35 : memref<128x128xf32, #tpu.memory_space<hbm>>) target_semaphore(%arg16 : memref<!tpu.dma_semaphore, #tpu.memory_space<semaphore_mem>>)
    %dma_start3A_36 = arith.constant 3 : i32
    %dma_start3A_37 = arith.constant 0 : i32
    %dma_start3A_38 = tpu.memref_slice %arg5[%dma_start3A_36, %dma_start3A_37] : memref<200x128xi32, #tpu.memory_space<vmem>> -> memref<1x128xi32, #tpu.memory_space<vmem>>
    %dma_start3A_39 = tpu.memref_squeeze %dma_start3A_38 : memref<1x128xi32, #tpu.memory_space<vmem>> -> memref<128xi32, #tpu.memory_space<vmem>>
    %dma_start3A_40 = arith.constant 0 : i32
    %dma_start3A_41 = arith.constant 0 : i32
    %dma_start3A_42 = tpu.memref_slice %arg3[%dma_start3A_40, %dma_start3A_41] : memref<100000x128xf32, #tpu.memory_space<hbm>> -> memref<100000x128xf32, #tpu.memory_space<hbm>>
    tpu.enqueue_indirect_dma source(%dma_start3A_42 : memref<100000x128xf32, #tpu.memory_space<hbm>>) target(%arg9 : memref<128x128xf32, #tpu.memory_space<vmem>>) offsets(%dma_start3A_39 : memref<128xi32, #tpu.memory_space<vmem>>) semaphore(%arg14 : memref<!tpu.dma_semaphore, #tpu.memory_space<semaphore_mem>>)
    %dma_wait3A_43 = arith.constant 0 : i32
    %dma_wait3A_44 = arith.constant 0 : i32
    %dma_wait3A_45 = tpu.memref_slice %arg3[%dma_wait3A_43, %dma_wait3A_44] : memref<100000x128xf32, #tpu.memory_space<hbm>> -> memref<128x128xf32, #tpu.memory_space<hbm>>
    %dma_wait3A_46 = arith.constant 0 : i32
    %dma_wait3A_47 = arith.constant 0 : i32
    %dma_wait3A_48 = tpu.memref_slice %arg3[%dma_wait3A_46, %dma_wait3A_47] : memref<100000x128xf32, #tpu.memory_space<hbm>> -> memref<128x128xf32, #tpu.memory_space<hbm>>
    tpu.wait_dma2 semaphore(%arg12 : memref<!tpu.dma_semaphore, #tpu.memory_space<semaphore_mem>>) src(%dma_wait3A_48 : memref<128x128xf32, #tpu.memory_space<hbm>>) dst(%arg7 : memref<128x128xf32, #tpu.memory_space<vmem>>)
    %add3A_49 = arith.constant 1 : i32
    %add3A_50 = arith.addi %mul3A_2, %add3A_49 : i32
    %mul3A_51 = arith.constant 128 : i32
    %mul3A_52 = arith.muli %add3A_50, %mul3A_51 : i32
    %dma_start3A_53 = arith.constant 0 : i32
    %dma_start3A_54 = tpu.memref_slice %arg4[%mul3A_52, %dma_start3A_53] : memref<819200x128xf32, #tpu.memory_space<hbm>> -> memref<128x128xf32, #tpu.memory_space<hbm>>
    %dma_start3A_55 = arith.constant 0 : i32
    %dma_start3A_56 = tpu.memref_slice %arg4[%mul3A_52, %dma_start3A_55] : memref<819200x128xf32, #tpu.memory_space<hbm>> -> memref<128x128xf32, #tpu.memory_space<hbm>>
    tpu.enqueue_dma source(%arg7 : memref<128x128xf32, #tpu.memory_space<vmem>>) target(%dma_start3A_56 : memref<128x128xf32, #tpu.memory_space<hbm>>) target_semaphore(%arg17 : memref<!tpu.dma_semaphore, #tpu.memory_space<semaphore_mem>>)
    %dma_start3A_57 = arith.constant 4 : i32
    %dma_start3A_58 = arith.constant 0 : i32
    %dma_start3A_59 = tpu.memref_slice %arg5[%dma_start3A_57, %dma_start3A_58] : memref<200x128xi32, #tpu.memory_space<vmem>> -> memref<1x128xi32, #tpu.memory_space<vmem>>
    %dma_start3A_60 = tpu.memref_squeeze %dma_start3A_59 : memref<1x128xi32, #tpu.memory_space<vmem>> -> memref<128xi32, #tpu.memory_space<vmem>>
    %dma_start3A_61 = arith.constant 0 : i32
    %dma_start3A_62 = arith.constant 0 : i32
    %dma_start3A_63 = tpu.memref_slice %arg3[%dma_start3A_61, %dma_start3A_62] : memref<100000x128xf32, #tpu.memory_space<hbm>> -> memref<100000x128xf32, #tpu.memory_space<hbm>>
    tpu.enqueue_indirect_dma source(%dma_start3A_63 : memref<100000x128xf32, #tpu.memory_space<hbm>>) target(%arg10 : memref<128x128xf32, #tpu.memory_space<vmem>>) offsets(%dma_start3A_60 : memref<128xi32, #tpu.memory_space<vmem>>) semaphore(%arg15 : memref<!tpu.dma_semaphore, #tpu.memory_space<semaphore_mem>>)
    %dma_wait3A_64 = arith.constant 0 : i32
    %dma_wait3A_65 = arith.constant 0 : i32
    %dma_wait3A_66 = tpu.memref_slice %arg3[%dma_wait3A_64, %dma_wait3A_65] : memref<100000x128xf32, #tpu.memory_space<hbm>> -> memref<128x128xf32, #tpu.memory_space<hbm>>
    %dma_wait3A_67 = arith.constant 0 : i32
    %dma_wait3A_68 = arith.constant 0 : i32
    %dma_wait3A_69 = tpu.memref_slice %arg3[%dma_wait3A_67, %dma_wait3A_68] : memref<100000x128xf32, #tpu.memory_space<hbm>> -> memref<128x128xf32, #tpu.memory_space<hbm>>
    tpu.wait_dma2 semaphore(%arg13 : memref<!tpu.dma_semaphore, #tpu.memory_space<semaphore_mem>>) src(%dma_wait3A_69 : memref<128x128xf32, #tpu.memory_space<hbm>>) dst(%arg8 : memref<128x128xf32, #tpu.memory_space<vmem>>)
    %add3A_70 = arith.constant 2 : i32
    %add3A_71 = arith.addi %mul3A_2, %add3A_70 : i32
    %mul3A_72 = arith.constant 128 : i32
    %mul3A_73 = arith.muli %add3A_71, %mul3A_72 : i32
    %dma_start3A_74 = arith.constant 0 : i32
    %dma_start3A_75 = tpu.memref_slice %arg4[%mul3A_73, %dma_start3A_74] : memref<819200x128xf32, #tpu.memory_space<hbm>> -> memref<128x128xf32, #tpu.memory_space<hbm>>
    %dma_start3A_76 = arith.constant 0 : i32
    %dma_start3A_77 = tpu.memref_slice %arg4[%mul3A_73, %dma_start3A_76] : memref<819200x128xf32, #tpu.memory_space<hbm>> -> memref<128x128xf32, #tpu.memory_space<hbm>>
    tpu.enqueue_dma source(%arg8 : memref<128x128xf32, #tpu.memory_space<vmem>>) target(%dma_start3A_77 : memref<128x128xf32, #tpu.memory_space<hbm>>) target_semaphore(%arg18 : memref<!tpu.dma_semaphore, #tpu.memory_space<semaphore_mem>>)
    %mul3A_78 = arith.constant 128 : i32
    %mul3A_79 = arith.muli %mul3A_2, %mul3A_78 : i32
    %dma_wait3A_80 = arith.constant 0 : i32
    %dma_wait3A_81 = tpu.memref_slice %arg4[%mul3A_79, %dma_wait3A_80] : memref<819200x128xf32, #tpu.memory_space<hbm>> -> memref<128x128xf32, #tpu.memory_space<hbm>>
    %dma_wait3A_82 = arith.constant 0 : i32
    %dma_wait3A_83 = tpu.memref_slice %arg4[%mul3A_79, %dma_wait3A_82] : memref<819200x128xf32, #tpu.memory_space<hbm>> -> memref<128x128xf32, #tpu.memory_space<hbm>>
    tpu.wait_dma2 semaphore(%arg16 : memref<!tpu.dma_semaphore, #tpu.memory_space<semaphore_mem>>) src(%arg6 : memref<128x128xf32, #tpu.memory_space<vmem>>) dst(%dma_wait3A_83 : memref<128x128xf32, #tpu.memory_space<hbm>>)
    %dma_start3A_84 = arith.constant 5 : i32
    %dma_start3A_85 = arith.constant 0 : i32
    %dma_start3A_86 = tpu.memref_slice %arg5[%dma_start3A_84, %dma_start3A_85] : memref<200x128xi32, #tpu.memory_space<vmem>> -> memref<1x128xi32, #tpu.memory_space<vmem>>
    %dma_start3A_87 = tpu.memref_squeeze %dma_start3A_86 : memref<1x128xi32, #tpu.memory_space<vmem>> -> memref<128xi32, #tpu.memory_space<vmem>>
    %dma_start3A_88 = arith.constant 0 : i32
    %dma_start3A_89 = arith.constant 0 : i32
    %dma_start3A_90 = tpu.memref_slice %arg3[%dma_start3A_88, %dma_start3A_89] : memref<100000x128xf32, #tpu.memory_space<hbm>> -> memref<100000x128xf32, #tpu.memory_space<hbm>>
    tpu.enqueue_indirect_dma source(%dma_start3A_90 : memref<100000x128xf32, #tpu.memory_space<hbm>>) target(%arg6 : memref<128x128xf32, #tpu.memory_space<vmem>>) offsets(%dma_start3A_87 : memref<128xi32, #tpu.memory_space<vmem>>) semaphore(%arg11 : memref<!tpu.dma_semaphore, #tpu.memory_space<semaphore_mem>>)
    %dma_wait3A_91 = arith.constant 0 : i32
    %dma_wait3A_92 = arith.constant 0 : i32
    %dma_wait3A_93 = tpu.memref_slice %arg3[%dma_wait3A_91, %dma_wait3A_92] : memref<100000x128xf32, #tpu.memory_space<hbm>> -> memref<128x128xf32, #tpu.memory_space<hbm>>
    %dma_wait3A_94 = arith.constant 0 : i32
    %dma_wait3A_95 = arith.constant 0 : i32
    %dma_wait3A_96 = tpu.memref_slice %arg3[%dma_wait3A_94, %dma_wait3A_95] : memref<100000x128xf32, #tpu.memory_space<hbm>> -> memref<128x128xf32, #tpu.memory_space<hbm>>
    tpu.wait_dma2 semaphore(%arg14 : memref<!tpu.dma_semaphore, #tpu.memory_space<semaphore_mem>>) src(%dma_wait3A_96 : memref<128x128xf32, #tpu.memory_space<hbm>>) dst(%arg9 : memref<128x128xf32, #tpu.memory_space<vmem>>)
    %add3A_97 = arith.constant 3 : i32
    %add3A_98 = arith.addi %mul3A_2, %add3A_97 : i32
    %mul3A_99 = arith.constant 128 : i32
    %mul3A_100 = arith.muli %add3A_98, %mul3A_99 : i32
    %dma_start3A_101 = arith.constant 0 : i32
    %dma_start3A_102 = tpu.memref_slice %arg4[%mul3A_100, %dma_start3A_101] : memref<819200x128xf32, #tpu.memory_space<hbm>> -> memref<128x128xf32, #tpu.memory_space<hbm>>
    %dma_start3A_103 = arith.constant 0 : i32
    %dma_start3A_104 = tpu.memref_slice %arg4[%mul3A_100, %dma_start3A_103] : memref<819200x128xf32, #tpu.memory_space<hbm>> -> memref<128x128xf32, #tpu.memory_space<hbm>>
    tpu.enqueue_dma source(%arg9 : memref<128x128xf32, #tpu.memory_space<vmem>>) target(%dma_start3A_104 : memref<128x128xf32, #tpu.memory_space<hbm>>) target_semaphore(%arg19 : memref<!tpu.dma_semaphore, #tpu.memory_space<semaphore_mem>>)
    %mul3A_105 = arith.constant 128 : i32
    %mul3A_106 = arith.muli %mul3A_2, %mul3A_105 : i32
    %dma_wait3A_107 = arith.constant 0 : i32
    %dma_wait3A_108 = tpu.memref_slice %arg4[%mul3A_106, %dma_wait3A_107] : memref<819200x128xf32, #tpu.memory_space<hbm>> -> memref<128x128xf32, #tpu.memory_space<hbm>>
    %dma_wait3A_109 = arith.constant 0 : i32
    %dma_wait3A_110 = tpu.memref_slice %arg4[%mul3A_106, %dma_wait3A_109] : memref<819200x128xf32, #tpu.memory_space<hbm>> -> memref<128x128xf32, #tpu.memory_space<hbm>>
    tpu.wait_dma2 semaphore(%arg17 : memref<!tpu.dma_semaphore, #tpu.memory_space<semaphore_mem>>) src(%arg7 : memref<128x128xf32, #tpu.memory_space<vmem>>) dst(%dma_wait3A_110 : memref<128x128xf32, #tpu.memory_space<hbm>>)
    %dma_start3A_111 = arith.constant 6 : i32
    %dma_start3A_112 = arith.constant 0 : i32
    %dma_start3A_113 = tpu.memref_slice %arg5[%dma_start3A_111, %dma_start3A_112] : memref<200x128xi32, #tpu.memory_space<vmem>> -> memref<1x128xi32, #tpu.memory_space<vmem>>
    %dma_start3A_114 = tpu.memref_squeeze %dma_start3A_113 : memref<1x128xi32, #tpu.memory_space<vmem>> -> memref<128xi32, #tpu.memory_space<vmem>>
    %dma_start3A_115 = arith.constant 0 : i32
    %dma_start3A_116 = arith.constant 0 : i32
    %dma_start3A_117 = tpu.memref_slice %arg3[%dma_start3A_115, %dma_start3A_116] : memref<100000x128xf32, #tpu.memory_space<hbm>> -> memref<100000x128xf32, #tpu.memory_space<hbm>>
    tpu.enqueue_indirect_dma source(%dma_start3A_117 : memref<100000x128xf32, #tpu.memory_space<hbm>>) target(%arg7 : memref<128x128xf32, #tpu.memory_space<vmem>>) offsets(%dma_start3A_114 : memref<128xi32, #tpu.memory_space<vmem>>) semaphore(%arg12 : memref<!tpu.dma_semaphore, #tpu.memory_space<semaphore_mem>>)
    %dma_wait3A_118 = arith.constant 0 : i32
    %dma_wait3A_119 = arith.constant 0 : i32
    %dma_wait3A_120 = tpu.memref_slice %arg3[%dma_wait3A_118, %dma_wait3A_119] : memref<100000x128xf32, #tpu.memory_space<hbm>> -> memref<128x128xf32, #tpu.memory_space<hbm>>
    %dma_wait3A_121 = arith.constant 0 : i32
    %dma_wait3A_122 = arith.constant 0 : i32
    %dma_wait3A_123 = tpu.memref_slice %arg3[%dma_wait3A_121, %dma_wait3A_122] : memref<100000x128xf32, #tpu.memory_space<hbm>> -> memref<128x128xf32, #tpu.memory_space<hbm>>
    tpu.wait_dma2 semaphore(%arg15 : memref<!tpu.dma_semaphore, #tpu.memory_space<semaphore_mem>>) src(%dma_wait3A_123 : memref<128x128xf32, #tpu.memory_space<hbm>>) dst(%arg10 : memref<128x128xf32, #tpu.memory_space<vmem>>)
    %add3A_124 = arith.constant 4 : i32
    %add3A_125 = arith.addi %mul3A_2, %add3A_124 : i32
    %mul3A_126 = arith.constant 128 : i32
    %mul3A_127 = arith.muli %add3A_125, %mul3A_126 : i32
    %dma_start3A_128 = arith.constant 0 : i32
    %dma_start3A_129 = tpu.memref_slice %arg4[%mul3A_127, %dma_start3A_128] : memref<819200x128xf32, #tpu.memory_space<hbm>> -> memref<128x128xf32, #tpu.memory_space<hbm>>
    %dma_start3A_130 = arith.constant 0 : i32
    %dma_start3A_131 = tpu.memref_slice %arg4[%mul3A_127, %dma_start3A_130] : memref<819200x128xf32, #tpu.memory_space<hbm>> -> memref<128x128xf32, #tpu.memory_space<hbm>>
    tpu.enqueue_dma source(%arg10 : memref<128x128xf32, #tpu.memory_space<vmem>>) target(%dma_start3A_131 : memref<128x128xf32, #tpu.memory_space<hbm>>) target_semaphore(%arg20 : memref<!tpu.dma_semaphore, #tpu.memory_space<semaphore_mem>>)
    %mul3A_132 = arith.constant 128 : i32
    %mul3A_133 = arith.muli %mul3A_2, %mul3A_132 : i32
    %dma_wait3A_134 = arith.constant 0 : i32
    %dma_wait3A_135 = tpu.memref_slice %arg4[%mul3A_133, %dma_wait3A_134] : memref<819200x128xf32, #tpu.memory_space<hbm>> -> memref<128x128xf32, #tpu.memory_space<hbm>>
    %dma_wait3A_136 = arith.constant 0 : i32
    %dma_wait3A_137 = tpu.memref_slice %arg4[%mul3A_133, %dma_wait3A_136] : memref<819200x128xf32, #tpu.memory_space<hbm>> -> memref<128x128xf32, #tpu.memory_space<hbm>>
    tpu.wait_dma2 semaphore(%arg18 : memref<!tpu.dma_semaphore, #tpu.memory_space<semaphore_mem>>) src(%arg8 : memref<128x128xf32, #tpu.memory_space<vmem>>) dst(%dma_wait3A_137 : memref<128x128xf32, #tpu.memory_space<hbm>>)
    %dma_start3A_138 = arith.constant 7 : i32
    %dma_start3A_139 = arith.constant 0 : i32
    %dma_start3A_140 = tpu.memref_slice %arg5[%dma_start3A_138, %dma_start3A_139] : memref<200x128xi32, #tpu.memory_space<vmem>> -> memref<1x128xi32, #tpu.memory_space<vmem>>
    %dma_start3A_141 = tpu.memref_squeeze %dma_start3A_140 : memref<1x128xi32, #tpu.memory_space<vmem>> -> memref<128xi32, #tpu.memory_space<vmem>>
    %dma_start3A_142 = arith.constant 0 : i32
    %dma_start3A_143 = arith.constant 0 : i32
    %dma_start3A_144 = tpu.memref_slice %arg3[%dma_start3A_142, %dma_start3A_143] : memref<100000x128xf32, #tpu.memory_space<hbm>> -> memref<100000x128xf32, #tpu.memory_space<hbm>>
    tpu.enqueue_indirect_dma source(%dma_start3A_144 : memref<100000x128xf32, #tpu.memory_space<hbm>>) target(%arg8 : memref<128x128xf32, #tpu.memory_space<vmem>>) offsets(%dma_start3A_141 : memref<128xi32, #tpu.memory_space<vmem>>) semaphore(%arg13 : memref<!tpu.dma_semaphore, #tpu.memory_space<semaphore_mem>>)
    %scan3A = arith.constant 0 : i32
    %scan3A_145 = arith.constant 1 : i32
    %scan3A_146 = arith.constant 38 : i32
    %scan3A_147 = arith.addi %scan3A_145, %scan3A_146 : i32
    %scan3A_148 = arith.constant 1 : i32
    scf.for %scan3A_276 = %scan3A_145 to %scan3A_147 step %scan3A_148  : i32 {
      %mul3A_277 = arith.constant 5 : i32
      %mul3A_278 = arith.muli %scan3A_276, %mul3A_277 : i32
      %add3A_279 = arith.constant 0 : i32
      %add3A_280 = arith.addi %mul3A_278, %add3A_279 : i32
      %dma_wait3A_281 = arith.constant 0 : i32
      %dma_wait3A_282 = arith.constant 0 : i32
      %dma_wait3A_283 = tpu.memref_slice %arg3[%dma_wait3A_281, %dma_wait3A_282] : memref<100000x128xf32, #tpu.memory_space<hbm>> -> memref<128x128xf32, #tpu.memory_space<hbm>>
      %dma_wait3A_284 = arith.constant 0 : i32
      %dma_wait3A_285 = arith.constant 0 : i32
      %dma_wait3A_286 = tpu.memref_slice %arg3[%dma_wait3A_284, %dma_wait3A_285] : memref<100000x128xf32, #tpu.memory_space<hbm>> -> memref<128x128xf32, #tpu.memory_space<hbm>>
      tpu.wait_dma2 semaphore(%arg11 : memref<!tpu.dma_semaphore, #tpu.memory_space<semaphore_mem>>) src(%dma_wait3A_286 : memref<128x128xf32, #tpu.memory_space<hbm>>) dst(%arg6 : memref<128x128xf32, #tpu.memory_space<vmem>>)
      %add3A_287 = arith.addi %mul3A_2, %add3A_280 : i32
      %mul3A_288 = arith.constant 128 : i32
      %mul3A_289 = arith.muli %add3A_287, %mul3A_288 : i32
      %dma_start3A_290 = arith.constant 0 : i32
      %dma_start3A_291 = tpu.memref_slice %arg4[%mul3A_289, %dma_start3A_290] : memref<819200x128xf32, #tpu.memory_space<hbm>> -> memref<128x128xf32, #tpu.memory_space<hbm>>
      %dma_start3A_292 = arith.constant 0 : i32
      %dma_start3A_293 = tpu.memref_slice %arg4[%mul3A_289, %dma_start3A_292] : memref<819200x128xf32, #tpu.memory_space<hbm>> -> memref<128x128xf32, #tpu.memory_space<hbm>>
      tpu.enqueue_dma source(%arg6 : memref<128x128xf32, #tpu.memory_space<vmem>>) target(%dma_start3A_293 : memref<128x128xf32, #tpu.memory_space<hbm>>) target_semaphore(%arg16 : memref<!tpu.dma_semaphore, #tpu.memory_space<semaphore_mem>>)
      %mul3A_294 = arith.constant 128 : i32
      %mul3A_295 = arith.muli %mul3A_2, %mul3A_294 : i32
      %dma_wait3A_296 = arith.constant 0 : i32
      %dma_wait3A_297 = tpu.memref_slice %arg4[%mul3A_295, %dma_wait3A_296] : memref<819200x128xf32, #tpu.memory_space<hbm>> -> memref<128x128xf32, #tpu.memory_space<hbm>>
      %dma_wait3A_298 = arith.constant 0 : i32
      %dma_wait3A_299 = tpu.memref_slice %arg4[%mul3A_295, %dma_wait3A_298] : memref<819200x128xf32, #tpu.memory_space<hbm>> -> memref<128x128xf32, #tpu.memory_space<hbm>>
      tpu.wait_dma2 semaphore(%arg19 : memref<!tpu.dma_semaphore, #tpu.memory_space<semaphore_mem>>) src(%arg9 : memref<128x128xf32, #tpu.memory_space<vmem>>) dst(%dma_wait3A_299 : memref<128x128xf32, #tpu.memory_space<hbm>>)
      %add3A_300 = arith.constant 3 : i32
      %add3A_301 = arith.addi %add3A_280, %add3A_300 : i32
      %dma_start3A_302 = arith.constant 0 : i32
      %dma_start3A_303 = tpu.memref_slice %arg5[%add3A_301, %dma_start3A_302] : memref<200x128xi32, #tpu.memory_space<vmem>> -> memref<1x128xi32, #tpu.memory_space<vmem>>
      %dma_start3A_304 = tpu.memref_squeeze %dma_start3A_303 : memref<1x128xi32, #tpu.memory_space<vmem>> -> memref<128xi32, #tpu.memory_space<vmem>>
      %dma_start3A_305 = arith.constant 0 : i32
      %dma_start3A_306 = arith.constant 0 : i32
      %dma_start3A_307 = tpu.memref_slice %arg3[%dma_start3A_305, %dma_start3A_306] : memref<100000x128xf32, #tpu.memory_space<hbm>> -> memref<100000x128xf32, #tpu.memory_space<hbm>>
      tpu.enqueue_indirect_dma source(%dma_start3A_307 : memref<100000x128xf32, #tpu.memory_space<hbm>>) target(%arg9 : memref<128x128xf32, #tpu.memory_space<vmem>>) offsets(%dma_start3A_304 : memref<128xi32, #tpu.memory_space<vmem>>) semaphore(%arg14 : memref<!tpu.dma_semaphore, #tpu.memory_space<semaphore_mem>>)
      %add3A_308 = arith.constant 1 : i32
      %add3A_309 = arith.addi %mul3A_278, %add3A_308 : i32
      %dma_wait3A_310 = arith.constant 0 : i32
      %dma_wait3A_311 = arith.constant 0 : i32
      %dma_wait3A_312 = tpu.memref_slice %arg3[%dma_wait3A_310, %dma_wait3A_311] : memref<100000x128xf32, #tpu.memory_space<hbm>> -> memref<128x128xf32, #tpu.memory_space<hbm>>
      %dma_wait3A_313 = arith.constant 0 : i32
      %dma_wait3A_314 = arith.constant 0 : i32
      %dma_wait3A_315 = tpu.memref_slice %arg3[%dma_wait3A_313, %dma_wait3A_314] : memref<100000x128xf32, #tpu.memory_space<hbm>> -> memref<128x128xf32, #tpu.memory_space<hbm>>
      tpu.wait_dma2 semaphore(%arg12 : memref<!tpu.dma_semaphore, #tpu.memory_space<semaphore_mem>>) src(%dma_wait3A_315 : memref<128x128xf32, #tpu.memory_space<hbm>>) dst(%arg7 : memref<128x128xf32, #tpu.memory_space<vmem>>)
      %add3A_316 = arith.addi %mul3A_2, %add3A_309 : i32
      %mul3A_317 = arith.constant 128 : i32
      %mul3A_318 = arith.muli %add3A_316, %mul3A_317 : i32
      %dma_start3A_319 = arith.constant 0 : i32
      %dma_start3A_320 = tpu.memref_slice %arg4[%mul3A_318, %dma_start3A_319] : memref<819200x128xf32, #tpu.memory_space<hbm>> -> memref<128x128xf32, #tpu.memory_space<hbm>>
      %dma_start3A_321 = arith.constant 0 : i32
      %dma_start3A_322 = tpu.memref_slice %arg4[%mul3A_318, %dma_start3A_321] : memref<819200x128xf32, #tpu.memory_space<hbm>> -> memref<128x128xf32, #tpu.memory_space<hbm>>
      tpu.enqueue_dma source(%arg7 : memref<128x128xf32, #tpu.memory_space<vmem>>) target(%dma_start3A_322 : memref<128x128xf32, #tpu.memory_space<hbm>>) target_semaphore(%arg17 : memref<!tpu.dma_semaphore, #tpu.memory_space<semaphore_mem>>)
      %mul3A_323 = arith.constant 128 : i32
      %mul3A_324 = arith.muli %mul3A_2, %mul3A_323 : i32
      %dma_wait3A_325 = arith.constant 0 : i32
      %dma_wait3A_326 = tpu.memref_slice %arg4[%mul3A_324, %dma_wait3A_325] : memref<819200x128xf32, #tpu.memory_space<hbm>> -> memref<128x128xf32, #tpu.memory_space<hbm>>
      %dma_wait3A_327 = arith.constant 0 : i32
      %dma_wait3A_328 = tpu.memref_slice %arg4[%mul3A_324, %dma_wait3A_327] : memref<819200x128xf32, #tpu.memory_space<hbm>> -> memref<128x128xf32, #tpu.memory_space<hbm>>
      tpu.wait_dma2 semaphore(%arg20 : memref<!tpu.dma_semaphore, #tpu.memory_space<semaphore_mem>>) src(%arg10 : memref<128x128xf32, #tpu.memory_space<vmem>>) dst(%dma_wait3A_328 : memref<128x128xf32, #tpu.memory_space<hbm>>)
      %add3A_329 = arith.constant 3 : i32
      %add3A_330 = arith.addi %add3A_309, %add3A_329 : i32
      %dma_start3A_331 = arith.constant 0 : i32
      %dma_start3A_332 = tpu.memref_slice %arg5[%add3A_330, %dma_start3A_331] : memref<200x128xi32, #tpu.memory_space<vmem>> -> memref<1x128xi32, #tpu.memory_space<vmem>>
      %dma_start3A_333 = tpu.memref_squeeze %dma_start3A_332 : memref<1x128xi32, #tpu.memory_space<vmem>> -> memref<128xi32, #tpu.memory_space<vmem>>
      %dma_start3A_334 = arith.constant 0 : i32
      %dma_start3A_335 = arith.constant 0 : i32
      %dma_start3A_336 = tpu.memref_slice %arg3[%dma_start3A_334, %dma_start3A_335] : memref<100000x128xf32, #tpu.memory_space<hbm>> -> memref<100000x128xf32, #tpu.memory_space<hbm>>
      tpu.enqueue_indirect_dma source(%dma_start3A_336 : memref<100000x128xf32, #tpu.memory_space<hbm>>) target(%arg10 : memref<128x128xf32, #tpu.memory_space<vmem>>) offsets(%dma_start3A_333 : memref<128xi32, #tpu.memory_space<vmem>>) semaphore(%arg15 : memref<!tpu.dma_semaphore, #tpu.memory_space<semaphore_mem>>)
      %add3A_337 = arith.constant 2 : i32
      %add3A_338 = arith.addi %mul3A_278, %add3A_337 : i32
      %dma_wait3A_339 = arith.constant 0 : i32
      %dma_wait3A_340 = arith.constant 0 : i32
      %dma_wait3A_341 = tpu.memref_slice %arg3[%dma_wait3A_339, %dma_wait3A_340] : memref<100000x128xf32, #tpu.memory_space<hbm>> -> memref<128x128xf32, #tpu.memory_space<hbm>>
      %dma_wait3A_342 = arith.constant 0 : i32
      %dma_wait3A_343 = arith.constant 0 : i32
      %dma_wait3A_344 = tpu.memref_slice %arg3[%dma_wait3A_342, %dma_wait3A_343] : memref<100000x128xf32, #tpu.memory_space<hbm>> -> memref<128x128xf32, #tpu.memory_space<hbm>>
      tpu.wait_dma2 semaphore(%arg13 : memref<!tpu.dma_semaphore, #tpu.memory_space<semaphore_mem>>) src(%dma_wait3A_344 : memref<128x128xf32, #tpu.memory_space<hbm>>) dst(%arg8 : memref<128x128xf32, #tpu.memory_space<vmem>>)
      %add3A_345 = arith.addi %mul3A_2, %add3A_338 : i32
      %mul3A_346 = arith.constant 128 : i32
      %mul3A_347 = arith.muli %add3A_345, %mul3A_346 : i32
      %dma_start3A_348 = arith.constant 0 : i32
      %dma_start3A_349 = tpu.memref_slice %arg4[%mul3A_347, %dma_start3A_348] : memref<819200x128xf32, #tpu.memory_space<hbm>> -> memref<128x128xf32, #tpu.memory_space<hbm>>
      %dma_start3A_350 = arith.constant 0 : i32
      %dma_start3A_351 = tpu.memref_slice %arg4[%mul3A_347, %dma_start3A_350] : memref<819200x128xf32, #tpu.memory_space<hbm>> -> memref<128x128xf32, #tpu.memory_space<hbm>>
      tpu.enqueue_dma source(%arg8 : memref<128x128xf32, #tpu.memory_space<vmem>>) target(%dma_start3A_351 : memref<128x128xf32, #tpu.memory_space<hbm>>) target_semaphore(%arg18 : memref<!tpu.dma_semaphore, #tpu.memory_space<semaphore_mem>>)
      %mul3A_352 = arith.constant 128 : i32
      %mul3A_353 = arith.muli %mul3A_2, %mul3A_352 : i32
      %dma_wait3A_354 = arith.constant 0 : i32
      %dma_wait3A_355 = tpu.memref_slice %arg4[%mul3A_353, %dma_wait3A_354] : memref<819200x128xf32, #tpu.memory_space<hbm>> -> memref<128x128xf32, #tpu.memory_space<hbm>>
      %dma_wait3A_356 = arith.constant 0 : i32
      %dma_wait3A_357 = tpu.memref_slice %arg4[%mul3A_353, %dma_wait3A_356] : memref<819200x128xf32, #tpu.memory_space<hbm>> -> memref<128x128xf32, #tpu.memory_space<hbm>>
      tpu.wait_dma2 semaphore(%arg16 : memref<!tpu.dma_semaphore, #tpu.memory_space<semaphore_mem>>) src(%arg6 : memref<128x128xf32, #tpu.memory_space<vmem>>) dst(%dma_wait3A_357 : memref<128x128xf32, #tpu.memory_space<hbm>>)
      %add3A_358 = arith.constant 3 : i32
      %add3A_359 = arith.addi %add3A_338, %add3A_358 : i32
      %dma_start3A_360 = arith.constant 0 : i32
      %dma_start3A_361 = tpu.memref_slice %arg5[%add3A_359, %dma_start3A_360] : memref<200x128xi32, #tpu.memory_space<vmem>> -> memref<1x128xi32, #tpu.memory_space<vmem>>
      %dma_start3A_362 = tpu.memref_squeeze %dma_start3A_361 : memref<1x128xi32, #tpu.memory_space<vmem>> -> memref<128xi32, #tpu.memory_space<vmem>>
      %dma_start3A_363 = arith.constant 0 : i32
      %dma_start3A_364 = arith.constant 0 : i32
      %dma_start3A_365 = tpu.memref_slice %arg3[%dma_start3A_363, %dma_start3A_364] : memref<100000x128xf32, #tpu.memory_space<hbm>> -> memref<100000x128xf32, #tpu.memory_space<hbm>>
      tpu.enqueue_indirect_dma source(%dma_start3A_365 : memref<100000x128xf32, #tpu.memory_space<hbm>>) target(%arg6 : memref<128x128xf32, #tpu.memory_space<vmem>>) offsets(%dma_start3A_362 : memref<128xi32, #tpu.memory_space<vmem>>) semaphore(%arg11 : memref<!tpu.dma_semaphore, #tpu.memory_space<semaphore_mem>>)
      %add3A_366 = arith.constant 3 : i32
      %add3A_367 = arith.addi %mul3A_278, %add3A_366 : i32
      %dma_wait3A_368 = arith.constant 0 : i32
      %dma_wait3A_369 = arith.constant 0 : i32
      %dma_wait3A_370 = tpu.memref_slice %arg3[%dma_wait3A_368, %dma_wait3A_369] : memref<100000x128xf32, #tpu.memory_space<hbm>> -> memref<128x128xf32, #tpu.memory_space<hbm>>
      %dma_wait3A_371 = arith.constant 0 : i32
      %dma_wait3A_372 = arith.constant 0 : i32
      %dma_wait3A_373 = tpu.memref_slice %arg3[%dma_wait3A_371, %dma_wait3A_372] : memref<100000x128xf32, #tpu.memory_space<hbm>> -> memref<128x128xf32, #tpu.memory_space<hbm>>
      tpu.wait_dma2 semaphore(%arg14 : memref<!tpu.dma_semaphore, #tpu.memory_space<semaphore_mem>>) src(%dma_wait3A_373 : memref<128x128xf32, #tpu.memory_space<hbm>>) dst(%arg9 : memref<128x128xf32, #tpu.memory_space<vmem>>)
      %add3A_374 = arith.addi %mul3A_2, %add3A_367 : i32
      %mul3A_375 = arith.constant 128 : i32
      %mul3A_376 = arith.muli %add3A_374, %mul3A_375 : i32
      %dma_start3A_377 = arith.constant 0 : i32
      %dma_start3A_378 = tpu.memref_slice %arg4[%mul3A_376, %dma_start3A_377] : memref<819200x128xf32, #tpu.memory_space<hbm>> -> memref<128x128xf32, #tpu.memory_space<hbm>>
      %dma_start3A_379 = arith.constant 0 : i32
      %dma_start3A_380 = tpu.memref_slice %arg4[%mul3A_376, %dma_start3A_379] : memref<819200x128xf32, #tpu.memory_space<hbm>> -> memref<128x128xf32, #tpu.memory_space<hbm>>
      tpu.enqueue_dma source(%arg9 : memref<128x128xf32, #tpu.memory_space<vmem>>) target(%dma_start3A_380 : memref<128x128xf32, #tpu.memory_space<hbm>>) target_semaphore(%arg19 : memref<!tpu.dma_semaphore, #tpu.memory_space<semaphore_mem>>)
      %mul3A_381 = arith.constant 128 : i32
      %mul3A_382 = arith.muli %mul3A_2, %mul3A_381 : i32
      %dma_wait3A_383 = arith.constant 0 : i32
      %dma_wait3A_384 = tpu.memref_slice %arg4[%mul3A_382, %dma_wait3A_383] : memref<819200x128xf32, #tpu.memory_space<hbm>> -> memref<128x128xf32, #tpu.memory_space<hbm>>
      %dma_wait3A_385 = arith.constant 0 : i32
      %dma_wait3A_386 = tpu.memref_slice %arg4[%mul3A_382, %dma_wait3A_385] : memref<819200x128xf32, #tpu.memory_space<hbm>> -> memref<128x128xf32, #tpu.memory_space<hbm>>
      tpu.wait_dma2 semaphore(%arg17 : memref<!tpu.dma_semaphore, #tpu.memory_space<semaphore_mem>>) src(%arg7 : memref<128x128xf32, #tpu.memory_space<vmem>>) dst(%dma_wait3A_386 : memref<128x128xf32, #tpu.memory_space<hbm>>)
      %add3A_387 = arith.constant 3 : i32
      %add3A_388 = arith.addi %add3A_367, %add3A_387 : i32
      %dma_start3A_389 = arith.constant 0 : i32
      %dma_start3A_390 = tpu.memref_slice %arg5[%add3A_388, %dma_start3A_389] : memref<200x128xi32, #tpu.memory_space<vmem>> -> memref<1x128xi32, #tpu.memory_space<vmem>>
      %dma_start3A_391 = tpu.memref_squeeze %dma_start3A_390 : memref<1x128xi32, #tpu.memory_space<vmem>> -> memref<128xi32, #tpu.memory_space<vmem>>
      %dma_start3A_392 = arith.constant 0 : i32
      %dma_start3A_393 = arith.constant 0 : i32
      %dma_start3A_394 = tpu.memref_slice %arg3[%dma_start3A_392, %dma_start3A_393] : memref<100000x128xf32, #tpu.memory_space<hbm>> -> memref<100000x128xf32, #tpu.memory_space<hbm>>
      tpu.enqueue_indirect_dma source(%dma_start3A_394 : memref<100000x128xf32, #tpu.memory_space<hbm>>) target(%arg7 : memref<128x128xf32, #tpu.memory_space<vmem>>) offsets(%dma_start3A_391 : memref<128xi32, #tpu.memory_space<vmem>>) semaphore(%arg12 : memref<!tpu.dma_semaphore, #tpu.memory_space<semaphore_mem>>)
      %add3A_395 = arith.constant 4 : i32
      %add3A_396 = arith.addi %mul3A_278, %add3A_395 : i32
      %dma_wait3A_397 = arith.constant 0 : i32
      %dma_wait3A_398 = arith.constant 0 : i32
      %dma_wait3A_399 = tpu.memref_slice %arg3[%dma_wait3A_397, %dma_wait3A_398] : memref<100000x128xf32, #tpu.memory_space<hbm>> -> memref<128x128xf32, #tpu.memory_space<hbm>>
      %dma_wait3A_400 = arith.constant 0 : i32
      %dma_wait3A_401 = arith.constant 0 : i32
      %dma_wait3A_402 = tpu.memref_slice %arg3[%dma_wait3A_400, %dma_wait3A_401] : memref<100000x128xf32, #tpu.memory_space<hbm>> -> memref<128x128xf32, #tpu.memory_space<hbm>>
      tpu.wait_dma2 semaphore(%arg15 : memref<!tpu.dma_semaphore, #tpu.memory_space<semaphore_mem>>) src(%dma_wait3A_402 : memref<128x128xf32, #tpu.memory_space<hbm>>) dst(%arg10 : memref<128x128xf32, #tpu.memory_space<vmem>>)
      %add3A_403 = arith.addi %mul3A_2, %add3A_396 : i32
      %mul3A_404 = arith.constant 128 : i32
      %mul3A_405 = arith.muli %add3A_403, %mul3A_404 : i32
      %dma_start3A_406 = arith.constant 0 : i32
      %dma_start3A_407 = tpu.memref_slice %arg4[%mul3A_405, %dma_start3A_406] : memref<819200x128xf32, #tpu.memory_space<hbm>> -> memref<128x128xf32, #tpu.memory_space<hbm>>
      %dma_start3A_408 = arith.constant 0 : i32
      %dma_start3A_409 = tpu.memref_slice %arg4[%mul3A_405, %dma_start3A_408] : memref<819200x128xf32, #tpu.memory_space<hbm>> -> memref<128x128xf32, #tpu.memory_space<hbm>>
      tpu.enqueue_dma source(%arg10 : memref<128x128xf32, #tpu.memory_space<vmem>>) target(%dma_start3A_409 : memref<128x128xf32, #tpu.memory_space<hbm>>) target_semaphore(%arg20 : memref<!tpu.dma_semaphore, #tpu.memory_space<semaphore_mem>>)
      %mul3A_410 = arith.constant 128 : i32
      %mul3A_411 = arith.muli %mul3A_2, %mul3A_410 : i32
      %dma_wait3A_412 = arith.constant 0 : i32
      %dma_wait3A_413 = tpu.memref_slice %arg4[%mul3A_411, %dma_wait3A_412] : memref<819200x128xf32, #tpu.memory_space<hbm>> -> memref<128x128xf32, #tpu.memory_space<hbm>>
      %dma_wait3A_414 = arith.constant 0 : i32
      %dma_wait3A_415 = tpu.memref_slice %arg4[%mul3A_411, %dma_wait3A_414] : memref<819200x128xf32, #tpu.memory_space<hbm>> -> memref<128x128xf32, #tpu.memory_space<hbm>>
      tpu.wait_dma2 semaphore(%arg18 : memref<!tpu.dma_semaphore, #tpu.memory_space<semaphore_mem>>) src(%arg8 : memref<128x128xf32, #tpu.memory_space<vmem>>) dst(%dma_wait3A_415 : memref<128x128xf32, #tpu.memory_space<hbm>>)
      %add3A_416 = arith.constant 3 : i32
      %add3A_417 = arith.addi %add3A_396, %add3A_416 : i32
      %dma_start3A_418 = arith.constant 0 : i32
      %dma_start3A_419 = tpu.memref_slice %arg5[%add3A_417, %dma_start3A_418] : memref<200x128xi32, #tpu.memory_space<vmem>> -> memref<1x128xi32, #tpu.memory_space<vmem>>
      %dma_start3A_420 = tpu.memref_squeeze %dma_start3A_419 : memref<1x128xi32, #tpu.memory_space<vmem>> -> memref<128xi32, #tpu.memory_space<vmem>>
      %dma_start3A_421 = arith.constant 0 : i32
      %dma_start3A_422 = arith.constant 0 : i32
      %dma_start3A_423 = tpu.memref_slice %arg3[%dma_start3A_421, %dma_start3A_422] : memref<100000x128xf32, #tpu.memory_space<hbm>> -> memref<100000x128xf32, #tpu.memory_space<hbm>>
      tpu.enqueue_indirect_dma source(%dma_start3A_423 : memref<100000x128xf32, #tpu.memory_space<hbm>>) target(%arg8 : memref<128x128xf32, #tpu.memory_space<vmem>>) offsets(%dma_start3A_420 : memref<128xi32, #tpu.memory_space<vmem>>) semaphore(%arg13 : memref<!tpu.dma_semaphore, #tpu.memory_space<semaphore_mem>>)
    }
    %scan3A_149 = arith.constant 38 : i32
    %dma_wait3A_150 = arith.constant 0 : i32
    %dma_wait3A_151 = arith.constant 0 : i32
    %dma_wait3A_152 = tpu.memref_slice %arg3[%dma_wait3A_150, %dma_wait3A_151] : memref<100000x128xf32, #tpu.memory_space<hbm>> -> memref<128x128xf32, #tpu.memory_space<hbm>>
    %dma_wait3A_153 = arith.constant 0 : i32
    %dma_wait3A_154 = arith.constant 0 : i32
    %dma_wait3A_155 = tpu.memref_slice %arg3[%dma_wait3A_153, %dma_wait3A_154] : memref<100000x128xf32, #tpu.memory_space<hbm>> -> memref<128x128xf32, #tpu.memory_space<hbm>>
    tpu.wait_dma2 semaphore(%arg11 : memref<!tpu.dma_semaphore, #tpu.memory_space<semaphore_mem>>) src(%dma_wait3A_155 : memref<128x128xf32, #tpu.memory_space<hbm>>) dst(%arg6 : memref<128x128xf32, #tpu.memory_space<vmem>>)
    %add3A_156 = arith.constant 195 : i32
    %add3A_157 = arith.addi %mul3A_2, %add3A_156 : i32
    %mul3A_158 = arith.constant 128 : i32
    %mul3A_159 = arith.muli %add3A_157, %mul3A_158 : i32
    %dma_start3A_160 = arith.constant 0 : i32
    %dma_start3A_161 = tpu.memref_slice %arg4[%mul3A_159, %dma_start3A_160] : memref<819200x128xf32, #tpu.memory_space<hbm>> -> memref<128x128xf32, #tpu.memory_space<hbm>>
    %dma_start3A_162 = arith.constant 0 : i32
    %dma_start3A_163 = tpu.memref_slice %arg4[%mul3A_159, %dma_start3A_162] : memref<819200x128xf32, #tpu.memory_space<hbm>> -> memref<128x128xf32, #tpu.memory_space<hbm>>
    tpu.enqueue_dma source(%arg6 : memref<128x128xf32, #tpu.memory_space<vmem>>) target(%dma_start3A_163 : memref<128x128xf32, #tpu.memory_space<hbm>>) target_semaphore(%arg16 : memref<!tpu.dma_semaphore, #tpu.memory_space<semaphore_mem>>)
    %mul3A_164 = arith.constant 128 : i32
    %mul3A_165 = arith.muli %mul3A_2, %mul3A_164 : i32
    %dma_wait3A_166 = arith.constant 0 : i32
    %dma_wait3A_167 = tpu.memref_slice %arg4[%mul3A_165, %dma_wait3A_166] : memref<819200x128xf32, #tpu.memory_space<hbm>> -> memref<128x128xf32, #tpu.memory_space<hbm>>
    %dma_wait3A_168 = arith.constant 0 : i32
    %dma_wait3A_169 = tpu.memref_slice %arg4[%mul3A_165, %dma_wait3A_168] : memref<819200x128xf32, #tpu.memory_space<hbm>> -> memref<128x128xf32, #tpu.memory_space<hbm>>
    tpu.wait_dma2 semaphore(%arg19 : memref<!tpu.dma_semaphore, #tpu.memory_space<semaphore_mem>>) src(%arg9 : memref<128x128xf32, #tpu.memory_space<vmem>>) dst(%dma_wait3A_169 : memref<128x128xf32, #tpu.memory_space<hbm>>)
    %dma_start3A_170 = arith.constant 198 : i32
    %dma_start3A_171 = arith.constant 0 : i32
    %dma_start3A_172 = tpu.memref_slice %arg5[%dma_start3A_170, %dma_start3A_171] : memref<200x128xi32, #tpu.memory_space<vmem>> -> memref<1x128xi32, #tpu.memory_space<vmem>>
    %dma_start3A_173 = tpu.memref_squeeze %dma_start3A_172 : memref<1x128xi32, #tpu.memory_space<vmem>> -> memref<128xi32, #tpu.memory_space<vmem>>
    %dma_start3A_174 = arith.constant 0 : i32
    %dma_start3A_175 = arith.constant 0 : i32
    %dma_start3A_176 = tpu.memref_slice %arg3[%dma_start3A_174, %dma_start3A_175] : memref<100000x128xf32, #tpu.memory_space<hbm>> -> memref<100000x128xf32, #tpu.memory_space<hbm>>
    tpu.enqueue_indirect_dma source(%dma_start3A_176 : memref<100000x128xf32, #tpu.memory_space<hbm>>) target(%arg9 : memref<128x128xf32, #tpu.memory_space<vmem>>) offsets(%dma_start3A_173 : memref<128xi32, #tpu.memory_space<vmem>>) semaphore(%arg14 : memref<!tpu.dma_semaphore, #tpu.memory_space<semaphore_mem>>)
    %dma_wait3A_177 = arith.constant 0 : i32
    %dma_wait3A_178 = arith.constant 0 : i32
    %dma_wait3A_179 = tpu.memref_slice %arg3[%dma_wait3A_177, %dma_wait3A_178] : memref<100000x128xf32, #tpu.memory_space<hbm>> -> memref<128x128xf32, #tpu.memory_space<hbm>>
    %dma_wait3A_180 = arith.constant 0 : i32
    %dma_wait3A_181 = arith.constant 0 : i32
    %dma_wait3A_182 = tpu.memref_slice %arg3[%dma_wait3A_180, %dma_wait3A_181] : memref<100000x128xf32, #tpu.memory_space<hbm>> -> memref<128x128xf32, #tpu.memory_space<hbm>>
    tpu.wait_dma2 semaphore(%arg12 : memref<!tpu.dma_semaphore, #tpu.memory_space<semaphore_mem>>) src(%dma_wait3A_182 : memref<128x128xf32, #tpu.memory_space<hbm>>) dst(%arg7 : memref<128x128xf32, #tpu.memory_space<vmem>>)
    %add3A_183 = arith.constant 196 : i32
    %add3A_184 = arith.addi %mul3A_2, %add3A_183 : i32
    %mul3A_185 = arith.constant 128 : i32
    %mul3A_186 = arith.muli %add3A_184, %mul3A_185 : i32
    %dma_start3A_187 = arith.constant 0 : i32
    %dma_start3A_188 = tpu.memref_slice %arg4[%mul3A_186, %dma_start3A_187] : memref<819200x128xf32, #tpu.memory_space<hbm>> -> memref<128x128xf32, #tpu.memory_space<hbm>>
    %dma_start3A_189 = arith.constant 0 : i32
    %dma_start3A_190 = tpu.memref_slice %arg4[%mul3A_186, %dma_start3A_189] : memref<819200x128xf32, #tpu.memory_space<hbm>> -> memref<128x128xf32, #tpu.memory_space<hbm>>
    tpu.enqueue_dma source(%arg7 : memref<128x128xf32, #tpu.memory_space<vmem>>) target(%dma_start3A_190 : memref<128x128xf32, #tpu.memory_space<hbm>>) target_semaphore(%arg17 : memref<!tpu.dma_semaphore, #tpu.memory_space<semaphore_mem>>)
    %mul3A_191 = arith.constant 128 : i32
    %mul3A_192 = arith.muli %mul3A_2, %mul3A_191 : i32
    %dma_wait3A_193 = arith.constant 0 : i32
    %dma_wait3A_194 = tpu.memref_slice %arg4[%mul3A_192, %dma_wait3A_193] : memref<819200x128xf32, #tpu.memory_space<hbm>> -> memref<128x128xf32, #tpu.memory_space<hbm>>
    %dma_wait3A_195 = arith.constant 0 : i32
    %dma_wait3A_196 = tpu.memref_slice %arg4[%mul3A_192, %dma_wait3A_195] : memref<819200x128xf32, #tpu.memory_space<hbm>> -> memref<128x128xf32, #tpu.memory_space<hbm>>
    tpu.wait_dma2 semaphore(%arg20 : memref<!tpu.dma_semaphore, #tpu.memory_space<semaphore_mem>>) src(%arg10 : memref<128x128xf32, #tpu.memory_space<vmem>>) dst(%dma_wait3A_196 : memref<128x128xf32, #tpu.memory_space<hbm>>)
    %dma_start3A_197 = arith.constant 199 : i32
    %dma_start3A_198 = arith.constant 0 : i32
    %dma_start3A_199 = tpu.memref_slice %arg5[%dma_start3A_197, %dma_start3A_198] : memref<200x128xi32, #tpu.memory_space<vmem>> -> memref<1x128xi32, #tpu.memory_space<vmem>>
    %dma_start3A_200 = tpu.memref_squeeze %dma_start3A_199 : memref<1x128xi32, #tpu.memory_space<vmem>> -> memref<128xi32, #tpu.memory_space<vmem>>
    %dma_start3A_201 = arith.constant 0 : i32
    %dma_start3A_202 = arith.constant 0 : i32
    %dma_start3A_203 = tpu.memref_slice %arg3[%dma_start3A_201, %dma_start3A_202] : memref<100000x128xf32, #tpu.memory_space<hbm>> -> memref<100000x128xf32, #tpu.memory_space<hbm>>
    tpu.enqueue_indirect_dma source(%dma_start3A_203 : memref<100000x128xf32, #tpu.memory_space<hbm>>) target(%arg10 : memref<128x128xf32, #tpu.memory_space<vmem>>) offsets(%dma_start3A_200 : memref<128xi32, #tpu.memory_space<vmem>>) semaphore(%arg15 : memref<!tpu.dma_semaphore, #tpu.memory_space<semaphore_mem>>)
    %dma_wait3A_204 = arith.constant 0 : i32
    %dma_wait3A_205 = arith.constant 0 : i32
    %dma_wait3A_206 = tpu.memref_slice %arg3[%dma_wait3A_204, %dma_wait3A_205] : memref<100000x128xf32, #tpu.memory_space<hbm>> -> memref<128x128xf32, #tpu.memory_space<hbm>>
    %dma_wait3A_207 = arith.constant 0 : i32
    %dma_wait3A_208 = arith.constant 0 : i32
    %dma_wait3A_209 = tpu.memref_slice %arg3[%dma_wait3A_207, %dma_wait3A_208] : memref<100000x128xf32, #tpu.memory_space<hbm>> -> memref<128x128xf32, #tpu.memory_space<hbm>>
    tpu.wait_dma2 semaphore(%arg13 : memref<!tpu.dma_semaphore, #tpu.memory_space<semaphore_mem>>) src(%dma_wait3A_209 : memref<128x128xf32, #tpu.memory_space<hbm>>) dst(%arg8 : memref<128x128xf32, #tpu.memory_space<vmem>>)
    %add3A_210 = arith.constant 197 : i32
    %add3A_211 = arith.addi %mul3A_2, %add3A_210 : i32
    %mul3A_212 = arith.constant 128 : i32
    %mul3A_213 = arith.muli %add3A_211, %mul3A_212 : i32
    %dma_start3A_214 = arith.constant 0 : i32
    %dma_start3A_215 = tpu.memref_slice %arg4[%mul3A_213, %dma_start3A_214] : memref<819200x128xf32, #tpu.memory_space<hbm>> -> memref<128x128xf32, #tpu.memory_space<hbm>>
    %dma_start3A_216 = arith.constant 0 : i32
    %dma_start3A_217 = tpu.memref_slice %arg4[%mul3A_213, %dma_start3A_216] : memref<819200x128xf32, #tpu.memory_space<hbm>> -> memref<128x128xf32, #tpu.memory_space<hbm>>
    tpu.enqueue_dma source(%arg8 : memref<128x128xf32, #tpu.memory_space<vmem>>) target(%dma_start3A_217 : memref<128x128xf32, #tpu.memory_space<hbm>>) target_semaphore(%arg18 : memref<!tpu.dma_semaphore, #tpu.memory_space<semaphore_mem>>)
    %dma_wait3A_218 = arith.constant 0 : i32
    %dma_wait3A_219 = arith.constant 0 : i32
    %dma_wait3A_220 = tpu.memref_slice %arg3[%dma_wait3A_218, %dma_wait3A_219] : memref<100000x128xf32, #tpu.memory_space<hbm>> -> memref<128x128xf32, #tpu.memory_space<hbm>>
    %dma_wait3A_221 = arith.constant 0 : i32
    %dma_wait3A_222 = arith.constant 0 : i32
    %dma_wait3A_223 = tpu.memref_slice %arg3[%dma_wait3A_221, %dma_wait3A_222] : memref<100000x128xf32, #tpu.memory_space<hbm>> -> memref<128x128xf32, #tpu.memory_space<hbm>>
    tpu.wait_dma2 semaphore(%arg14 : memref<!tpu.dma_semaphore, #tpu.memory_space<semaphore_mem>>) src(%dma_wait3A_223 : memref<128x128xf32, #tpu.memory_space<hbm>>) dst(%arg9 : memref<128x128xf32, #tpu.memory_space<vmem>>)
    %add3A_224 = arith.constant 198 : i32
    %add3A_225 = arith.addi %mul3A_2, %add3A_224 : i32
    %mul3A_226 = arith.constant 128 : i32
    %mul3A_227 = arith.muli %add3A_225, %mul3A_226 : i32
    %dma_start3A_228 = arith.constant 0 : i32
    %dma_start3A_229 = tpu.memref_slice %arg4[%mul3A_227, %dma_start3A_228] : memref<819200x128xf32, #tpu.memory_space<hbm>> -> memref<128x128xf32, #tpu.memory_space<hbm>>
    %dma_start3A_230 = arith.constant 0 : i32
    %dma_start3A_231 = tpu.memref_slice %arg4[%mul3A_227, %dma_start3A_230] : memref<819200x128xf32, #tpu.memory_space<hbm>> -> memref<128x128xf32, #tpu.memory_space<hbm>>
    tpu.enqueue_dma source(%arg9 : memref<128x128xf32, #tpu.memory_space<vmem>>) target(%dma_start3A_231 : memref<128x128xf32, #tpu.memory_space<hbm>>) target_semaphore(%arg19 : memref<!tpu.dma_semaphore, #tpu.memory_space<semaphore_mem>>)
    %dma_wait3A_232 = arith.constant 0 : i32
    %dma_wait3A_233 = arith.constant 0 : i32
    %dma_wait3A_234 = tpu.memref_slice %arg3[%dma_wait3A_232, %dma_wait3A_233] : memref<100000x128xf32, #tpu.memory_space<hbm>> -> memref<128x128xf32, #tpu.memory_space<hbm>>
    %dma_wait3A_235 = arith.constant 0 : i32
    %dma_wait3A_236 = arith.constant 0 : i32
    %dma_wait3A_237 = tpu.memref_slice %arg3[%dma_wait3A_235, %dma_wait3A_236] : memref<100000x128xf32, #tpu.memory_space<hbm>> -> memref<128x128xf32, #tpu.memory_space<hbm>>
    tpu.wait_dma2 semaphore(%arg15 : memref<!tpu.dma_semaphore, #tpu.memory_space<semaphore_mem>>) src(%dma_wait3A_237 : memref<128x128xf32, #tpu.memory_space<hbm>>) dst(%arg10 : memref<128x128xf32, #tpu.memory_space<vmem>>)
    %add3A_238 = arith.constant 199 : i32
    %add3A_239 = arith.addi %mul3A_2, %add3A_238 : i32
    %mul3A_240 = arith.constant 128 : i32
    %mul3A_241 = arith.muli %add3A_239, %mul3A_240 : i32
    %dma_start3A_242 = arith.constant 0 : i32
    %dma_start3A_243 = tpu.memref_slice %arg4[%mul3A_241, %dma_start3A_242] : memref<819200x128xf32, #tpu.memory_space<hbm>> -> memref<128x128xf32, #tpu.memory_space<hbm>>
    %dma_start3A_244 = arith.constant 0 : i32
    %dma_start3A_245 = tpu.memref_slice %arg4[%mul3A_241, %dma_start3A_244] : memref<819200x128xf32, #tpu.memory_space<hbm>> -> memref<128x128xf32, #tpu.memory_space<hbm>>
    tpu.enqueue_dma source(%arg10 : memref<128x128xf32, #tpu.memory_space<vmem>>) target(%dma_start3A_245 : memref<128x128xf32, #tpu.memory_space<hbm>>) target_semaphore(%arg20 : memref<!tpu.dma_semaphore, #tpu.memory_space<semaphore_mem>>)
    %mul3A_246 = arith.constant 128 : i32
    %mul3A_247 = arith.muli %mul3A_2, %mul3A_246 : i32
    %dma_wait3A_248 = arith.constant 0 : i32
    %dma_wait3A_249 = tpu.memref_slice %arg4[%mul3A_247, %dma_wait3A_248] : memref<819200x128xf32, #tpu.memory_space<hbm>> -> memref<128x128xf32, #tpu.memory_space<hbm>>
    %dma_wait3A_250 = arith.constant 0 : i32
    %dma_wait3A_251 = tpu.memref_slice %arg4[%mul3A_247, %dma_wait3A_250] : memref<819200x128xf32, #tpu.memory_space<hbm>> -> memref<128x128xf32, #tpu.memory_space<hbm>>
    tpu.wait_dma2 semaphore(%arg16 : memref<!tpu.dma_semaphore, #tpu.memory_space<semaphore_mem>>) src(%arg6 : memref<128x128xf32, #tpu.memory_space<vmem>>) dst(%dma_wait3A_251 : memref<128x128xf32, #tpu.memory_space<hbm>>)
    %mul3A_252 = arith.constant 128 : i32
    %mul3A_253 = arith.muli %mul3A_2, %mul3A_252 : i32
    %dma_wait3A_254 = arith.constant 0 : i32
    %dma_wait3A_255 = tpu.memref_slice %arg4[%mul3A_253, %dma_wait3A_254] : memref<819200x128xf32, #tpu.memory_space<hbm>> -> memref<128x128xf32, #tpu.memory_space<hbm>>
    %dma_wait3A_256 = arith.constant 0 : i32
    %dma_wait3A_257 = tpu.memref_slice %arg4[%mul3A_253, %dma_wait3A_256] : memref<819200x128xf32, #tpu.memory_space<hbm>> -> memref<128x128xf32, #tpu.memory_space<hbm>>
    tpu.wait_dma2 semaphore(%arg17 : memref<!tpu.dma_semaphore, #tpu.memory_space<semaphore_mem>>) src(%arg7 : memref<128x128xf32, #tpu.memory_space<vmem>>) dst(%dma_wait3A_257 : memref<128x128xf32, #tpu.memory_space<hbm>>)
    %mul3A_258 = arith.constant 128 : i32
    %mul3A_259 = arith.muli %mul3A_2, %mul3A_258 : i32
    %dma_wait3A_260 = arith.constant 0 : i32
    %dma_wait3A_261 = tpu.memref_slice %arg4[%mul3A_259, %dma_wait3A_260] : memref<819200x128xf32, #tpu.memory_space<hbm>> -> memref<128x128xf32, #tpu.memory_space<hbm>>
    %dma_wait3A_262 = arith.constant 0 : i32
    %dma_wait3A_263 = tpu.memref_slice %arg4[%mul3A_259, %dma_wait3A_262] : memref<819200x128xf32, #tpu.memory_space<hbm>> -> memref<128x128xf32, #tpu.memory_space<hbm>>
    tpu.wait_dma2 semaphore(%arg18 : memref<!tpu.dma_semaphore, #tpu.memory_space<semaphore_mem>>) src(%arg8 : memref<128x128xf32, #tpu.memory_space<vmem>>) dst(%dma_wait3A_263 : memref<128x128xf32, #tpu.memory_space<hbm>>)
    %mul3A_264 = arith.constant 128 : i32
    %mul3A_265 = arith.muli %mul3A_2, %mul3A_264 : i32
    %dma_wait3A_266 = arith.constant 0 : i32
    %dma_wait3A_267 = tpu.memref_slice %arg4[%mul3A_265, %dma_wait3A_266] : memref<819200x128xf32, #tpu.memory_space<hbm>> -> memref<128x128xf32, #tpu.memory_space<hbm>>
    %dma_wait3A_268 = arith.constant 0 : i32
    %dma_wait3A_269 = tpu.memref_slice %arg4[%mul3A_265, %dma_wait3A_268] : memref<819200x128xf32, #tpu.memory_space<hbm>> -> memref<128x128xf32, #tpu.memory_space<hbm>>
    tpu.wait_dma2 semaphore(%arg19 : memref<!tpu.dma_semaphore, #tpu.memory_space<semaphore_mem>>) src(%arg9 : memref<128x128xf32, #tpu.memory_space<vmem>>) dst(%dma_wait3A_269 : memref<128x128xf32, #tpu.memory_space<hbm>>)
    %mul3A_270 = arith.constant 128 : i32
    %mul3A_271 = arith.muli %mul3A_2, %mul3A_270 : i32
    %dma_wait3A_272 = arith.constant 0 : i32
    %dma_wait3A_273 = tpu.memref_slice %arg4[%mul3A_271, %dma_wait3A_272] : memref<819200x128xf32, #tpu.memory_space<hbm>> -> memref<128x128xf32, #tpu.memory_space<hbm>>
    %dma_wait3A_274 = arith.constant 0 : i32
    %dma_wait3A_275 = tpu.memref_slice %arg4[%mul3A_271, %dma_wait3A_274] : memref<819200x128xf32, #tpu.memory_space<hbm>> -> memref<128x128xf32, #tpu.memory_space<hbm>>
    tpu.wait_dma2 semaphore(%arg20 : memref<!tpu.dma_semaphore, #tpu.memory_space<semaphore_mem>>) src(%arg10 : memref<128x128xf32, #tpu.memory_space<vmem>>) dst(%dma_wait3A_275 : memref<128x128xf32, #tpu.memory_space<hbm>>)
    return
  }
}

</mosaic_0001>

<sc_bundles>
// kernel: kernel.3.cloned.1.call-start
scs
__scs_entry_jumppad:
0x0: {  	(pc) =	sbr.rel $0x88, $3  }
0x1: {  	(tag) =	ssettag $0x0;
	lr =	simm.s32 $0x1  }
0x2: {  	[smem:$0x3F9F] =	sst lr;
	_ =	strace $0xD0000000  }
0x3: {  	_ = 	snop  }
0x4: {  	_ = 	snop  }
0x5: {  	_ = 	snop  }
0x6: {  	_ = 	snop  }
0x7: {  	_ = 	snop  }
__scs_overlays_trampoline_lowered:
0x8: {  	[smem:$0x3FAE] =	sst s0  }
0x9: {  	[smem:$0x3FAF] =	sst s1  }
0xa: {  	[smem:$0x3FB0] =	sst s2  }
0xb: {  	[smem:$0x3FB1] =	sst s3  }
0xc: {  	[smem:$0x3FB2] =	sst s4  }
0xd: {  	[smem:$0x3FB3] =	sst s5  }
0xe: {  	[smem:$0x3FB4] =	sst s6  }
0xf: {  	[smem:$0x3FB5] =	sst s7  }
0x10: {  	[smem:$0x3FB6] =	sst s8  }
0x11: {  	[smem:$0x3FB7] =	sst s9;
	s0 =	simm.s32 @!p0 $0x0  }
0x12: {  	s1 =	sld [smem:$0x3F9D];
	s0 =	simm.s32 @p0 $0x1  }
0x13: {  	[smem:$0x3FB8] =	sst s0;
	s0 =	simm.s32 @!p1 $0x0  }
0x14: {  	s2 =	sld [smem:$0x3F9C];
	s0 =	simm.s32 @p1 $0x1  }
0x15: {  	[smem:$0x3FB9] =	sst s0;
	s0 =	simm.s32 @!p2 $0x0  }
0x16: {  	s3 =	sld [smem:$0x3FDB];
	s0 =	simm.s32 @p2 $0x1  }
0x17: {  	s4 =	simm.s32 $0x1BF5;
	[smem:$0x3FBB] =	sst s0  }
0x18: {  	s0 =	sld [smem:$0x3F9E];
	_ =	swait.ge [sflag:s4], $0x0  }
0x19: {  	s7 =	sld [smem:$0x3F9F]  }
0x1a: {  	s8 =	sadd.s32 $0xFFFFE003, lr  }
0x1b: {  	s9 =	sadd.s32 $0xFFFFFEF7, lr;
	s5 =	simm.s32 $0xFFFFFFFF;
	p2 =	slt.u32 s8, $0xFFFFF086  }
0x1c: {  	p1 =	slt.u32 s9, $0xF7A;
	s5 =	simm.s32 @!p2 $0x0  }
0x1d: {  	s5 =	simm.s32 @p1 $0x1;
	p0 =	seq.s32 s7, s2  }
0x1e: {  	s7 =	smul.u32 @!p0 $0xF7A, s2;
	p2 =	seq.s32 @!p0 s5, $0x0  }
0x1f: {  	s9 =	smul.u32 $0xF7A, s1;
	s8 =	simm.s32 @!p0 $0x1BF5;
	p2 =	por !p2, p0  }
0x20: {  	[sflag:s8] =	ssyncset.s32 @!p0 $0xFFFFF086;
	s6 =	sadd.s32 @!p0 s3, s7;
	s7 =	simm.s32 @!p0 $0x108  }
0x21: {  	s3 =	sadd.s32 s3, s9;
	s6 =	sadd.s32 @!p0 $0x88, s6;
	s7 =	simm.s32 @p2 $0x1082  }
0x22: {  	[simem:s7], [sflag:s8] =	dma.local @!p0 [hbm:s6], $0xF7A  }
0x23: {  	s9 =	sor.u32 $0xD0000000, s2;
	s6 =	simm.s32 $0x108;
	_ =	swait.ge @!p0 [sflag:s8], $0x0  }
0x24: {  	s3 =	sadd.s32 $0x88, s3;
	s6 =	simm.s32 @!p1 $0x1082;
	[sflag:s4] =	ssyncset.s32 $0xFFFFF086  }
0x25: {  	[simem:s6], [sflag:s4] =	dma.local [hbm:s3], $0xF7A  }
0x26: {  	[smem:$0x3F9F] =	sst s1;
	(tag) =	ssettag s2;
	_ =	strace s9  }
0x27: {  	s1 =	sld [smem:$0x3FAF]  }
0x28: {  	s2 =	sld [smem:$0x3FB0]  }
0x29: {  	s4 =	sld [smem:$0x3FB2]  }
0x2a: {  	p0 =	seq.s32 s5, $0x0;
	s5 =	sld [smem:$0x3FB3]  }
0x2b: {  	s6 =	sld [smem:$0x3FB4]  }
0x2c: {  	s7 =	sld [smem:$0x3FB5]  }
0x2d: {  	s3 =	simm.s32 $0x108;
	s8 =	sld [smem:$0x3FB6]  }
0x2e: {  	s3 =	simm.s32 @!p0 $0x1082;
	s9 =	sld [smem:$0x3FB7]  }
0x2f: {  	lr =	sadd.s32 s0, s3;
	s0 =	sld [smem:$0x3FAE]  }
0x30: {  	s3 =	sld [smem:$0x3FB1]  }
0x31: {  	[smem:$0x3FBA] =	sst s10  }
0x32: {  	s10 =	sld [smem:$0x3FB8];
	_ =	sdelay $0x3  }
0x33: {  	p0 =	seq.s32 s10, $0x1;
	s10 =	sld [smem:$0x3FBA];
	_ =	sdelay $0x3  }
0x34: {  	[smem:$0x3FBA] =	sst s10  }
0x35: {  	s10 =	sld [smem:$0x3FB9];
	_ =	sdelay $0x3  }
0x36: {  	p1 =	seq.s32 s10, $0x1;
	s10 =	sld [smem:$0x3FBA];
	_ =	sdelay $0x3  }
0x37: {  	[smem:$0x3FBA] =	sst s10  }
0x38: {  	s10 =	sld [smem:$0x3FBB]  }
0x39: {  	_ = 	snop;
	(pc) =	sbr.ind lr, $3  }
0x3a: {  	_ = 	snop  }
0x3b: {  	_ = 	snop  }
0x3c: {  	p2 =	seq.s32 s10, $0x1;
	s10 =	sld [smem:$0x3FBA]  }
0x3d: {  	_ =	shalt  }
0x3e: {  	_ =	shalt  }
0x3f: {  	_ =	shalt  }
0x40: {  	_ =	shalt  }
0x41: {  	_ =	shalt  }
0x42: {  	_ =	shalt  }
0x43: {  	_ =	shalt  }
0x44: {  	_ =	shalt  }
0x45: {  	_ =	shalt  }
0x46: {  	_ =	shalt  }
0x47: {  	_ =	shalt  }
0x48: {  	_ =	shalt  }
0x49: {  	_ =	shalt  }
0x4a: {  	_ =	shalt  }
0x4b: {  	_ =	shalt  }
0x4c: {  	_ =	shalt  }
0x4d: {  	_ =	shalt  }
0x4e: {  	_ =	shalt  }
0x4f: {  	_ =	shalt  }
0x50: {  	_ =	shalt  }
0x51: {  	_ =	shalt  }
0x52: {  	_ =	shalt  }
0x53: {  	_ =	shalt  }
0x54: {  	_ =	shalt  }
0x55: {  	_ =	shalt  }
0x56: {  	_ =	shalt  }
0x57: {  	_ =	shalt  }
0x58: {  	_ =	shalt  }
0x59: {  	_ =	shalt  }
0x5a: {  	_ =	shalt  }
0x5b: {  	_ =	shalt  }
0x5c: {  	_ =	shalt  }
0x5d: {  	_ =	shalt  }
0x5e: {  	_ =	shalt  }
0x5f: {  	_ =	shalt  }
0x60: {  	_ =	shalt  }
0x61: {  	_ =	shalt  }
0x62: {  	_ =	shalt  }
0x63: {  	_ =	shalt  }
0x64: {  	_ =	shalt  }
0x65: {  	_ =	shalt  }
0x66: {  	_ =	shalt  }
0x67: {  	_ =	shalt  }
0x68: {  	_ =	shalt  }
0x69: {  	_ =	shalt  }
0x6a: {  	_ =	shalt  }
0x6b: {  	_ =	shalt  }
0x6c: {  	_ =	shalt  }
0x6d: {  	_ =	shalt  }
0x6e: {  	_ =	shalt  }
0x6f: {  	_ =	shalt  }
0x70: {  	_ =	shalt  }
0x71: {  	_ =	shalt  }
0x72: {  	_ =	shalt  }
0x73: {  	_ =	shalt  }
0x74: {  	_ =	shalt  }
0x75: {  	_ =	shalt  }
0x76: {  	_ =	shalt  }
0x77: {  	_ =	shalt  }
0x78: {  	_ =	shalt  }
0x79: {  	_ =	shalt  }
0x7a: {  	_ =	shalt  }
0x7b: {  	_ =	shalt  }
0x7c: {  	_ =	shalt  }
0x7d: {  	_ =	shalt  }
0x7e: {  	_ =	shalt  }
0x7f: {  	_ =	shalt  }
0x80: {  	_ =	shalt  }
0x81: {  	_ =	shalt  }
0x82: {  	_ =	shalt  }
0x83: {  	_ =	shalt  }
0x84: {  	_ =	shalt  }
0x85: {  	_ =	shalt  }
0x86: {  	_ =	shalt  }
0x87: {  	_ =	shalt  }
.Lfunc_end0:
.L_simem_size_0:
called_computation_lowered:
.L_overlay_start_0:
0x88: {  	s2 =	sld [smem:$0x3FD9]  }
0x89: {  	s3 =	sld [smem:$0x3FFE];
	_ =	sdelay $0x1  }
0x8a: {  	s1 =	srdreg.scid  }
0x8b: {  	s0 =	sand.u32 $0x1, s1  }
0x8c: {  	s17 =	sshll.u32 s0, $0xA;
	s2 =	sadd.s32 s3, s2  }
0x8d: {  	s2 =	sadd.s32 s2, s17  }
0x8e: {  	[smem:$0x3FC6] =	sst s2  }
0x8f: {  	_ = 	snop  }
0x90: {  	s2 =	sld [smem:$0x3FC8]  }
0x91: {  	s18 =	sld [smem:$0x3FD0];
	(tm) =	ssettm $0x1  }
0x92: {  	s4 =	sld [smem:$0x3FFB];
	_ =	sdelay $0x3  }
0x93: {  	_ =	strace s4  }
0x94: {  	s4 =	sld [smem:$0x3FFC];
	_ =	sdelay $0x3  }
0x95: {  	_ =	strace s4  }
0x96: {  	s4 =	sld [smem:$0x3FFD];
	_ =	sdelay $0x3  }
0x97: {  	_ =	strace s4  }
0x98: {  	_ =	strace $0x8FFFFFFF  }
0x99: {  	s19 =	sld [smem:$0x3FDB];
	_ =	sdelay $0x1  }
0x9a: {  	s5 =	simm.s32 $_scs_section_size  }
0x9b: {  	s6 =	simm.s32 $_size__tile_overlayer_lowered;
	s7 =	simm.s32 $_tile_overlayer_lowered  }
0x9c: {  	s22 =	simm.s32 $0x1BFF;
	s21 =	sshll.u32 s7, $0x1;
	s4 =	sadd.s32 s5, s19  }
0x9d: {  	s8 =	simm.s32 $0x0;
	s20 =	sshll.u32 s6, $0x1;
	s6 =	sadd.s32 s21, s4  }
0x9e: {  	[timem:s8], [sflag:s22] =	dma.local [hbm:s6], s20  }
0x9f: {  	_ =	swait.ge [sflag:s22], s20  }
0xa0: {  	s5 =	ssub.s32 $0x0, s20;
	[sflag:s22] =	ssyncset.done $0x0  }
0xa1: {  	[sflag:s22] =	ssyncadd.s32 s5;
	_ =	sdelay $0x1  }
0xa2: {  	s23 =	simm.s32 $0x1B8B  }
0xa3: {  	_ =	swait.ge [sflag:s23], $0x1  }
0xa4: {  	[sflag:s23] =	ssyncset.done $0x0  }
0xa5: {  	s25 =	simm.s32 $0x1B8E;
	s24 =	sld [smem:$0x3FFE];
	[sflag:s23] =	ssyncadd.s32 $0xFFFFFFFF  }
0xa6: {  	s26 =	simm.s32 $execute0_lowered;
	[smem:$0x3FD2] =	sst s25  }
0xa7: {  	s6 =	sshll.u32 s26, $0x1;
	_ =	strace $0x80000046;
	[dreg:$0x1] =	wrdreg $0xFFFFFFFF  }
0xa8: {  	s28 =	simm.s32 $_size_execute0_lowered;
	s4 =	sadd.s32 s4, s6;
	[dreg:$0x0] =	wrdreg $0x0  }
0xa9: {  	s6 =	sshll.u32 s28, $0x1;
	[dreg:$0x2] =	wrdreg s4  }
0xaa: {  	[dreg:$0x3] =	wrdreg s6  }
0xab: {  	[dreg:$0x4] =	wrdreg $0xC0  }
0xac: {  	_ =	task [dreg:s8], $0x5FFFF  }
0xad: {  	[dreg:$0x1] =	wrdreg $0xFFFFFFFF  }
0xae: {  	[dreg:$0x0] =	wrdreg $0x60  }
0xaf: {  	[dreg:$0x2] =	wrdreg s24  }
0xb0: {  	[dreg:$0x3] =	wrdreg s2  }
0xb1: {  	[dreg:$0x4] =	wrdreg s18  }
0xb2: {  	[dreg:$0x5] =	wrdreg $0x9  }
0xb3: {  	_ =	task.clear_ibuf [dreg:s8], $0x6FFFF;
	_ =	strace $0x90000046  }
0xb4: {  	s29 =	simm.s32 $0x9;
	_ =	strace $0x80000048  }
0xb5: {  	_ =	swait.ge [sflag:s29], $0x1  }
0xb6: {  	[sflag:s29] =	ssyncadd.s32 $0xFFFFFFFF  }
0xb7: {  	_ =	strace $0x90000048  }
0xb8: {  	_ =	sfence  }
0xb9: {  	s30 =	sld [smem:$0x0];
	_ =	sdelay $0x2  }
0xba: {  	s31 =	sshll.u32 s1, $0xD;
	s1 =	sshrl.u32 s1, $0x2  }
0xbb: {  	s3 =	sand.u32 $0x4000, s31;
	s1 =	sadd.s32 s1, s30  }
0xbc: {  	s0 =	sor.u32 s3, s0;
	s1 =	sshll.u32 s1, $0x11  }
0xbd: {  	s0 =	sor.u32 s1, s0  }
0xbe: {  	s0 =	sadd.s32 $0x8F2B, s0  }
0xbf: {  	[sflag:s0] =	ssyncadd.remote.s32 $0x1  }
0xc0: {  	_ =	sfence.sel $0xFFFF  }
0xc1: {  	[dreg:$0x0] =	wrdreg $0xFFFFFFFF;
	(pc) =	sbr.abs _section_cstart, $3  }
0xc2: {  	[dreg:$0x1] =	wrdreg $0xFFFFFFFF  }
0xc3: {  	_ =	task.clear_ibuf [dreg:s8], $0x2FFFF;
	_ =	strace $0x9FFFFFFF  }
0xc4: {  	(tm) =	ssettm $0x7FFFFFFF  }
0xc5: {  	_ =	shalt  }
tec
execute0_lowered:
.L_overlay_start_1:
0x0: {  	(tag) =	ssettag $0x1  }
0x1: {  	s0 =	rddreg [dreg:$0x0];
	s1 =	srdreg.scid  }
0x2: {  	s9 =	stileid.u32;
	s2 =	rddreg [dreg:$0x1]  }
0x3: {  	s3 =	rddreg [dreg:$0x2];
	s18 =	simm.s32 $0xB;
	s28 =	simm.s32 $0x2  }
0x4: {  	s1 =	sand.u32 $0x1, s1;
	s4 =	sshll.u32 s9, $0x1;
	s21 =	smul.u32 $0x190, s9  }
0x5: {  	s6 =	sor.u32 s1, s4;
	s7 =	ssub.s32 $0x2, s1;
	s1 =	smul.u32 $0xC8, s1  }
0x6: {  	s30 =	simm.s32 $0x16400;
	s31 =	simm.s32 $0x3;
	s5 =	smul.u32 $0xC80, s6  }
0x7: {  	s29 =	simm.s32 $0x8;
	s4 =	simm.s32 $0x0;
	s8 =	smul.u32 $0x64000, s6  }
0x8: {  	[smem:$0x7FF] =	sst s4;
	s19 =	sshrl.u32 s7, $0x1;
	s6 =	smul.u32 $0x320000, s6  }
0x9: {  	_ =	strace $0x80000047;
	s7 =	ssub.s32 s7, s19;
	s0 =	sadd.s32 s5, s0  }
0xa: {  	s19 =	simm.s32 $0x80;
	s5 =	sadd.s32 s3, s8;
	s0 =	sadd.s32 $0x400, s0  }
0xb: {  	s6 =	sshrl.u32 s6, $0x3;
	s20 =	sadd.s32 $0x800, s5;
	[dreg:$0x5] =	wrdreg s0  }
0xc: {  	s17 =	smax.u32 s7, $0x1;
	s8 =	sadd.s32 $0x1000, s5;
	[dreg:$0x6] =	wrdreg s20  }
0xd: {  	s7 =	simm.s32 $0xA;
	s22 =	sadd.s32 $0x1800, s5;
	[dreg:$0x7] =	wrdreg s8  }
0xe: {  	s23 =	sadd.s32 $0x2000, s5;
	s6 =	sadd.s32 s3, s6;
	[dreg:$0x8] =	wrdreg s22  }
0xf: {  	[dreg:$0x9] =	wrdreg s23;
	s24 =	sadd.s32 $0x61800, s6;
	s25 =	sadd.s32 $0x62000, s6  }
0x10: {  	s0 =	sadd.s32 s1, s21;
	s26 =	sadd.s32 $0x62800, s6;
	s14 =	sadd.s32 $0x63000, s6  }
0x11: {  	s16 =	sadd.s32 $0x63800, s6;
	s20 =	simm.s32 $0x6400;
	s21 =	simm.s32 $0xA400  }
0x12: {  	s23 =	simm.s32 $0xE400;
	s1 =	simm.s32 $0x6;
	[dreg:$0xa] =	wrdreg s24  }
0x13: {  	s22 =	simm.s32 $0x4;
	s6 =	simm.s32 $0x9;
	[dreg:$0xb] =	wrdreg s25  }
0x14: {  	s8 =	simm.s32 $0x0;
	[dreg:$0xc] =	wrdreg s26;
	s15 =	sshll.u32 s0, $0xB  }
0x15: {  	s24 =	simm.s32 $0x1;
	s26 =	simm.s32 $0x12400;
	s0 =	sadd.s32 $0x4000, s15  }
0x16: {  	s25 =	simm.s32 $0x7;
	[dreg:$0x4] =	wrdreg s0;
	s0 =	simm.s32 $0x5  }
.LBB2_1:
0x17: {  	s9 =	rddreg [dreg:$0x5]  }
0x18: {  	[tilespmem:s4], [sflag:$0xB] =	stream.linear.gather [hbm4b:s9+s4], $0x6400, $0x38;
	[tilespmem:$0x1A400] =	vst v63  }
0x19: {  	_ =	swait.ge [sflag:s18], $0x6400  }
0x1a: {  	[sflag:s18] =	ssyncset.done $0x0  }
0x1b: {  	[sflag:s18] =	ssyncadd.s32 $0xFFFF9C00  }
0x1c: {  	[tilespmem:s20], [sflag:$0x1] =	stream.indirect.gather [hbm4b:s2+s19], $0x80, s4, s19, $0xb8;
	[tilespmem:$0x1A400] =	vst v63  }
0x1d: {  	_ = 	snop  }
0x1e: {  	[tilespmem:s21], [sflag:$0x2] =	stream.indirect.gather [hbm4b:s2+s19], $0x80, s19, s19, $0xb8;
	[tilespmem:$0x1A400] =	vst v63  }
0x1f: {  	s13 =	simm.s32 $0x100  }
0x20: {  	[tilespmem:s23], [sflag:$0x3] =	stream.indirect.gather [hbm4b:s2+s19], $0x80, s13, s19, $0xb8;
	[tilespmem:$0x1A400] =	vst v63  }
0x21: {  	_ =	swait.ge [sflag:s24], $0x4000  }
0x22: {  	[sflag:s24] =	ssyncset.done $0x0  }
0x23: {  	[sflag:s24] =	ssyncadd.s32 $0xFFFFC000  }
0x24: {  	[hbm4b:s5+s4] =	stream.linear.scatter [tilespmem:s20], [sflag:$0x6], $0x4000, $0x38;
	[tilespmem:$0x1A400] =	vst v63  }
0x25: {  	s10 =	simm.s32 $0x180  }
0x26: {  	[tilespmem:s26], [sflag:$0x4] =	stream.indirect.gather [hbm4b:s2+s19], $0x80, s10, s19, $0xb8;
	[tilespmem:$0x1A400] =	vst v63  }
0x27: {  	_ =	swait.ge [sflag:s28], $0x4000  }
0x28: {  	[sflag:s28] =	ssyncset.done $0x0  }
0x29: {  	s11 =	rddreg [dreg:$0x6];
	[sflag:s28] =	ssyncadd.s32 $0xFFFFC000  }
0x2a: {  	[hbm4b:s11+s4] =	stream.linear.scatter [tilespmem:s21], [sflag:$0x7], $0x4000, $0x38;
	[tilespmem:$0x1A400] =	vst v63  }
0x2b: {  	s12 =	simm.s32 $0x200  }
0x2c: {  	[tilespmem:s30], [sflag:$0x5] =	stream.indirect.gather [hbm4b:s2+s19], $0x80, s12, s19, $0xb8;
	[tilespmem:$0x1A400] =	vst v63  }
0x2d: {  	_ =	swait.ge [sflag:s31], $0x4000  }
0x2e: {  	[sflag:s31] =	ssyncset.done $0x0  }
0x2f: {  	s13 =	rddreg [dreg:$0x7];
	[sflag:s31] =	ssyncadd.s32 $0xFFFFC000  }
0x30: {  	[hbm4b:s13+s4] =	stream.linear.scatter [tilespmem:s23], [sflag:$0x8], $0x4000, $0x38;
	[tilespmem:$0x1A400] =	vst v63  }
0x31: {  	_ =	swait.ge [sflag:s1], $0x4000  }
0x32: {  	[sflag:s1] =	ssyncset.done $0x0  }
0x33: {  	s10 =	simm.s32 $0x280;
	[sflag:s1] =	ssyncadd.s32 $0xFFFFC000  }
0x34: {  	[tilespmem:s20], [sflag:$0x1] =	stream.indirect.gather [hbm4b:s2+s19], $0x80, s10, s19, $0xb8;
	[tilespmem:$0x1A400] =	vst v63  }
0x35: {  	_ =	swait.ge [sflag:s22], $0x4000  }
0x36: {  	[sflag:s22] =	ssyncset.done $0x0  }
0x37: {  	s11 =	rddreg [dreg:$0x8];
	[sflag:s22] =	ssyncadd.s32 $0xFFFFC000  }
0x38: {  	[hbm4b:s11+s4] =	stream.linear.scatter [tilespmem:s26], [sflag:$0x9], $0x4000, $0x38;
	[tilespmem:$0x1A400] =	vst v63  }
0x39: {  	_ =	swait.ge [sflag:s25], $0x4000  }
0x3a: {  	[sflag:s25] =	ssyncset.done $0x0  }
0x3b: {  	s12 =	simm.s32 $0x300;
	[sflag:s25] =	ssyncadd.s32 $0xFFFFC000  }
0x3c: {  	[tilespmem:s21], [sflag:$0x2] =	stream.indirect.gather [hbm4b:s2+s19], $0x80, s12, s19, $0xb8;
	[tilespmem:$0x1A400] =	vst v63  }
0x3d: {  	_ =	swait.ge [sflag:s0], $0x4000  }
0x3e: {  	[sflag:s0] =	ssyncset.done $0x0  }
0x3f: {  	s13 =	rddreg [dreg:$0x9];
	[sflag:s0] =	ssyncadd.s32 $0xFFFFC000  }
0x40: {  	[hbm4b:s13+s4] =	stream.linear.scatter [tilespmem:s30], [sflag:$0xA], $0x4000, $0x38;
	[tilespmem:$0x1A400] =	vst v63  }
0x41: {  	_ =	swait.ge [sflag:s29], $0x4000  }
0x42: {  	[sflag:s29] =	ssyncset.done $0x0  }
0x43: {  	s10 =	simm.s32 $0x380;
	[sflag:s29] =	ssyncadd.s32 $0xFFFFC000  }
0x44: {  	[tilespmem:s23], [sflag:$0x3] =	stream.indirect.gather [hbm4b:s2+s19], $0x80, s10, s19, $0xb8;
	[tilespmem:$0x1A400] =	vst v63  }
0x45: {  	_ =	swait.ge [sflag:s24], $0x4000  }
0x46: {  	s9 =	sadd.s32 s3, s15;
	[sflag:s24] =	ssyncset.done $0x0  }
0x47: {  	s10 =	sadd.s32 $0x2800, s9;
	[sflag:s24] =	ssyncadd.s32 $0xFFFFC000  }
0x48: {  	[hbm4b:s10+s4] =	stream.linear.scatter [tilespmem:s20], [sflag:$0x6], $0x4000, $0x38;
	[tilespmem:$0x1A400] =	vst v63  }
0x49: {  	_ =	swait.ge [sflag:s6], $0x4000  }
0x4a: {  	[sflag:s6] =	ssyncset.done $0x0  }
0x4b: {  	s11 =	simm.s32 $0x400;
	[sflag:s6] =	ssyncadd.s32 $0xFFFFC000  }
0x4c: {  	[tilespmem:s26], [sflag:$0x4] =	stream.indirect.gather [hbm4b:s2+s19], $0x80, s11, s19, $0xb8;
	[tilespmem:$0x1A400] =	vst v63  }
0x4d: {  	_ =	swait.ge [sflag:s28], $0x4000  }
0x4e: {  	[sflag:s28] =	ssyncset.done $0x0  }
0x4f: {  	s12 =	sadd.s32 $0x3000, s9;
	[sflag:s28] =	ssyncadd.s32 $0xFFFFC000  }
0x50: {  	[hbm4b:s12+s4] =	stream.linear.scatter [tilespmem:s21], [sflag:$0x7], $0x4000, $0x38;
	[tilespmem:$0x1A400] =	vst v63  }
0x51: {  	_ =	swait.ge [sflag:s7], $0x4000  }
0x52: {  	[sflag:s7] =	ssyncset.done $0x0  }
0x53: {  	s13 =	simm.s32 $0x480;
	[sflag:s7] =	ssyncadd.s32 $0xFFFFC000  }
0x54: {  	[tilespmem:s30], [sflag:$0x5] =	stream.indirect.gather [hbm4b:s2+s19], $0x80, s13, s19, $0xb8;
	[tilespmem:$0x1A400] =	vst v63  }
0x55: {  	_ =	swait.ge [sflag:s31], $0x4000  }
0x56: {  	[sflag:s31] =	ssyncset.done $0x0  }
0x57: {  	s9 =	sadd.s32 $0x3800, s9;
	[sflag:s31] =	ssyncadd.s32 $0xFFFFC000  }
0x58: {  	[hbm4b:s9+s4] =	stream.linear.scatter [tilespmem:s23], [sflag:$0x8], $0x4000, $0x38;
	[tilespmem:$0x1A400] =	vst v63  }
0x59: {  	_ =	swait.ge [sflag:s1], $0x4000  }
0x5a: {  	[sflag:s1] =	ssyncset.done $0x0  }
0x5b: {  	s11 =	simm.s32 $0x500;
	[sflag:s1] =	ssyncadd.s32 $0xFFFFC000  }
0x5c: {  	[tilespmem:s20], [sflag:$0x1] =	stream.indirect.gather [hbm4b:s2+s19], $0x80, s11, s19, $0xb8;
	[tilespmem:$0x1A400] =	vst v63  }
0x5d: {  	_ =	swait.ge [sflag:s22], $0x4000  }
0x5e: {  	s12 =	rddreg [dreg:$0x4];
	[sflag:s22] =	ssyncset.done $0x0  }
0x5f: {  	[sflag:s22] =	ssyncadd.s32 $0xFFFFC000;
	s9 =	sadd.s32 s3, s12  }
0x60: {  	[hbm4b:s9+s4] =	stream.linear.scatter [tilespmem:s26], [sflag:$0x9], $0x4000, $0x38;
	[tilespmem:$0x1A400] =	vst v63  }
0x61: {  	_ =	swait.ge [sflag:s25], $0x4000  }
0x62: {  	[sflag:s25] =	ssyncset.done $0x0  }
0x63: {  	s13 =	simm.s32 $0x580;
	[sflag:s25] =	ssyncadd.s32 $0xFFFFC000  }
0x64: {  	[tilespmem:s21], [sflag:$0x2] =	stream.indirect.gather [hbm4b:s2+s19], $0x80, s13, s19, $0xb8;
	[tilespmem:$0x1A400] =	vst v63  }
0x65: {  	_ =	swait.ge [sflag:s0], $0x4000  }
0x66: {  	[sflag:s0] =	ssyncset.done $0x0  }
0x67: {  	s9 =	sadd.s32 $0x800, s9;
	[sflag:s0] =	ssyncadd.s32 $0xFFFFC000  }
0x68: {  	[hbm4b:s9+s4] =	stream.linear.scatter [tilespmem:s30], [sflag:$0xA], $0x4000, $0x38;
	[tilespmem:$0x1A400] =	vst v63  }
0x69: {  	_ =	swait.ge [sflag:s29], $0x4000  }
0x6a: {  	s10 =	sadd.s32 $0x2800, s3;
	[sflag:s29] =	ssyncset.done $0x0  }
0x6b: {  	s11 =	simm.s32 $0x600;
	s9 =	simm.s32 $0xA00;
	[sflag:s29] =	ssyncadd.s32 $0xFFFFC000  }
.LBB2_2:
0x6c: {  	[tilespmem:s23], [sflag:$0x3] =	stream.indirect.gather [hbm4b:s2+s19], $0x80, s11, s19, $0xb8;
	[tilespmem:$0x1A400] =	vst v63  }
0x6d: {  	_ =	swait.ge [sflag:s24], $0x4000  }
0x6e: {  	s12 =	sadd.s32 s10, s15;
	[sflag:s24] =	ssyncset.done $0x0  }
0x6f: {  	s13 =	sadd.s32 $0x2800, s12;
	[sflag:s24] =	ssyncadd.s32 $0xFFFFC000  }
0x70: {  	[hbm4b:s13+s4] =	stream.linear.scatter [tilespmem:s20], [sflag:$0x6], $0x4000, $0x38;
	[tilespmem:$0x1A400] =	vst v63  }
0x71: {  	s11 =	smov.u32 s9;
	_ =	swait.ge [sflag:s6], $0x4000  }
0x72: {  	s11 =	sshra.s32 s11, $0x2;
	[sflag:s6] =	ssyncset.done $0x0  }
0x73: {  	s13 =	sadd.s32 $0x400, s11;
	[sflag:s6] =	ssyncadd.s32 $0xFFFFC000  }
0x74: {  	[tilespmem:s26], [sflag:$0x4] =	stream.indirect.gather [hbm4b:s2+s19], $0x80, s13, s19, $0xb8;
	[tilespmem:$0x1A400] =	vst v63  }
0x75: {  	_ =	swait.ge [sflag:s28], $0x4000  }
0x76: {  	[sflag:s28] =	ssyncset.done $0x0  }
0x77: {  	s13 =	sadd.s32 $0x3000, s12;
	[sflag:s28] =	ssyncadd.s32 $0xFFFFC000  }
0x78: {  	[hbm4b:s13+s4] =	stream.linear.scatter [tilespmem:s21], [sflag:$0x7], $0x4000, $0x38;
	[tilespmem:$0x1A400] =	vst v63  }
0x79: {  	_ =	swait.ge [sflag:s7], $0x4000  }
0x7a: {  	[sflag:s7] =	ssyncset.done $0x0  }
0x7b: {  	s13 =	sadd.s32 $0x480, s11;
	[sflag:s7] =	ssyncadd.s32 $0xFFFFC000  }
0x7c: {  	[tilespmem:s30], [sflag:$0x5] =	stream.indirect.gather [hbm4b:s2+s19], $0x80, s13, s19, $0xb8;
	[tilespmem:$0x1A400] =	vst v63  }
0x7d: {  	_ =	swait.ge [sflag:s31], $0x4000  }
0x7e: {  	[sflag:s31] =	ssyncset.done $0x0  }
0x7f: {  	s12 =	sadd.s32 $0x3800, s12;
	[sflag:s31] =	ssyncadd.s32 $0xFFFFC000  }
0x80: {  	[hbm4b:s12+s4] =	stream.linear.scatter [tilespmem:s23], [sflag:$0x8], $0x4000, $0x38;
	[tilespmem:$0x1A400] =	vst v63  }
0x81: {  	_ =	swait.ge [sflag:s1], $0x4000  }
0x82: {  	[sflag:s1] =	ssyncset.done $0x0  }
0x83: {  	s13 =	sadd.s32 $0x500, s11;
	[sflag:s1] =	ssyncadd.s32 $0xFFFFC000  }
0x84: {  	[tilespmem:s20], [sflag:$0x1] =	stream.indirect.gather [hbm4b:s2+s19], $0x80, s13, s19, $0xb8;
	[tilespmem:$0x1A400] =	vst v63  }
0x85: {  	_ =	swait.ge [sflag:s22], $0x4000  }
0x86: {  	s13 =	rddreg [dreg:$0x4];
	[sflag:s22] =	ssyncset.done $0x0  }
0x87: {  	[sflag:s22] =	ssyncadd.s32 $0xFFFFC000;
	s12 =	sadd.s32 s10, s13  }
0x88: {  	[hbm4b:s12+s4] =	stream.linear.scatter [tilespmem:s26], [sflag:$0x9], $0x4000, $0x38;
	[tilespmem:$0x1A400] =	vst v63  }
0x89: {  	_ =	swait.ge [sflag:s25], $0x4000  }
0x8a: {  	[sflag:s25] =	ssyncset.done $0x0  }
0x8b: {  	s13 =	sadd.s32 $0x580, s11;
	[sflag:s25] =	ssyncadd.s32 $0xFFFFC000  }
0x8c: {  	[tilespmem:s21], [sflag:$0x2] =	stream.indirect.gather [hbm4b:s2+s19], $0x80, s13, s19, $0xb8;
	[tilespmem:$0x1A400] =	vst v63  }
0x8d: {  	_ =	swait.ge [sflag:s0], $0x4000  }
0x8e: {  	p0 =	sne.s32 s9, $0x17200;
	[sflag:s0] =	ssyncset.done $0x0  }
.Ltmp0:
0x8f: {  	s12 =	sadd.s32 $0x800, s12;
	[sflag:s0] =	ssyncadd.s32 $0xFFFFC000;
	(pc) =	sbr.rel @p0 .LBB2_2-.Ltmp0, $4  }
0x90: {  	[hbm4b:s12+s4] =	stream.linear.scatter [tilespmem:s30], [sflag:$0xA], $0x4000, $0x38;
	[tilespmem:$0x1A400] =	vst v63  }
0x91: {  	_ =	swait.ge [sflag:s29], $0x4000  }
0x92: {  	s9 =	sadd.s32 $0xA00, s9;
	[sflag:s29] =	ssyncset.done $0x0  }
0x93: {  	s11 =	sadd.s32 $0x600, s11;
	s10 =	sadd.s32 $0x2800, s10;
	[sflag:s29] =	ssyncadd.s32 $0xFFFFC000  }
0x94: {  	[tilespmem:s23], [sflag:$0x3] =	stream.indirect.gather [hbm4b:s2+s19], $0x80, s11, s19, $0xb8;
	[tilespmem:$0x1A400] =	vst v63  }
0x95: {  	_ =	swait.ge [sflag:s24], $0x4000  }
0x96: {  	[sflag:s24] =	ssyncset.done $0x0  }
0x97: {  	s9 =	rddreg [dreg:$0xa];
	[sflag:s24] =	ssyncadd.s32 $0xFFFFC000  }
0x98: {  	[hbm4b:s9+s4] =	stream.linear.scatter [tilespmem:s20], [sflag:$0x6], $0x4000, $0x38;
	[tilespmem:$0x1A400] =	vst v63  }
0x99: {  	_ =	swait.ge [sflag:s6], $0x4000  }
0x9a: {  	[sflag:s6] =	ssyncset.done $0x0  }
0x9b: {  	s10 =	simm.s32 $0x6300;
	[sflag:s6] =	ssyncadd.s32 $0xFFFFC000  }
0x9c: {  	[tilespmem:s26], [sflag:$0x4] =	stream.indirect.gather [hbm4b:s2+s19], $0x80, s10, s19, $0xb8;
	[tilespmem:$0x1A400] =	vst v63  }
0x9d: {  	_ =	swait.ge [sflag:s28], $0x4000  }
0x9e: {  	[sflag:s28] =	ssyncset.done $0x0  }
0x9f: {  	s11 =	rddreg [dreg:$0xb];
	[sflag:s28] =	ssyncadd.s32 $0xFFFFC000  }
0xa0: {  	[hbm4b:s11+s4] =	stream.linear.scatter [tilespmem:s21], [sflag:$0x7], $0x4000, $0x38;
	[tilespmem:$0x1A400] =	vst v63  }
0xa1: {  	_ =	swait.ge [sflag:s7], $0x4000  }
0xa2: {  	[sflag:s7] =	ssyncset.done $0x0  }
0xa3: {  	s12 =	simm.s32 $0x6380;
	[sflag:s7] =	ssyncadd.s32 $0xFFFFC000  }
0xa4: {  	[tilespmem:s30], [sflag:$0x5] =	stream.indirect.gather [hbm4b:s2+s19], $0x80, s12, s19, $0xb8;
	[tilespmem:$0x1A400] =	vst v63  }
0xa5: {  	_ =	swait.ge [sflag:s31], $0x4000  }
0xa6: {  	[sflag:s31] =	ssyncset.done $0x0  }
0xa7: {  	s13 =	rddreg [dreg:$0xc];
	[sflag:s31] =	ssyncadd.s32 $0xFFFFC000  }
0xa8: {  	[hbm4b:s13+s4] =	stream.linear.scatter [tilespmem:s23], [sflag:$0x8], $0x4000, $0x38;
	[tilespmem:$0x1A400] =	vst v63  }
0xa9: {  	_ =	swait.ge [sflag:s22], $0x4000  }
0xaa: {  	[sflag:s22] =	ssyncset.done $0x0  }
0xab: {  	[sflag:s22] =	ssyncadd.s32 $0xFFFFC000  }
0xac: {  	[hbm4b:s14+s4] =	stream.linear.scatter [tilespmem:s26], [sflag:$0x9], $0x4000, $0x38;
	[tilespmem:$0x1A400] =	vst v63  }
0xad: {  	_ =	swait.ge [sflag:s0], $0x4000  }
0xae: {  	[sflag:s0] =	ssyncset.done $0x0  }
0xaf: {  	[sflag:s0] =	ssyncadd.s32 $0xFFFFC000  }
0xb0: {  	[hbm4b:s16+s4] =	stream.linear.scatter [tilespmem:s30], [sflag:$0xA], $0x4000, $0x38;
	[tilespmem:$0x1A400] =	vst v63  }
0xb1: {  	_ =	swait.ge [sflag:s1], $0x4000  }
0xb2: {  	[sflag:s1] =	ssyncset.done $0x0  }
0xb3: {  	[sflag:s1] =	ssyncadd.s32 $0xFFFFC000  }
0xb4: {  	_ =	swait.ge [sflag:s25], $0x4000  }
0xb5: {  	[sflag:s25] =	ssyncset.done $0x0  }
0xb6: {  	[sflag:s25] =	ssyncadd.s32 $0xFFFFC000  }
0xb7: {  	_ =	swait.ge [sflag:s29], $0x4000  }
0xb8: {  	[sflag:s29] =	ssyncset.done $0x0  }
0xb9: {  	s8 =	sadd.s32 $0x1, s8;
	[sflag:s29] =	ssyncadd.s32 $0xFFFFC000  }
0xba: {  	p0 =	sne.s32 s8, s17;
	_ =	swait.ge [sflag:s6], $0x4000  }
.Ltmp1:
0xbb: {  	[sflag:s6] =	ssyncset.done $0x0;
	(pc) =	sbr.rel @p0 .LBB2_1-.Ltmp1, $4  }
0xbc: {  	[sflag:s6] =	ssyncadd.s32 $0xFFFFC000  }
0xbd: {  	_ =	swait.ge [sflag:s7], $0x4000  }
0xbe: {  	[sflag:s7] =	ssyncset.done $0x0  }
0xbf: {  	[sflag:s7] =	ssyncadd.s32 $0xFFFFC000  }
0xc0: {  	_ =	sfence.sel $0x180000  }
0xc1: {  	[bflag:$0x0] =	sbarrier.arrive $0xFFFF  }
0xc2: {  	_ =	strace $0x90000047  }
0xc3: {  	s0 =	stileid.u32;
	[bflag:$0x2] =	sbarrier.arrive $0xFFFF  }
0xc4: {  	p0 =	sne.s32 s0, $0x0;
	s0 =	rddreg [dreg:$0x3]  }
0xc5: {  	s0 =	sadd.s32 @!p0 $0x100000, s0  }
0xc6: {  	[sflag:s0] =	ssyncadd.tile.s32 @!p0 $0x1;
	_ =	shalt  }
.Lfunc_end2:
_tile_overlayer_lowered:
.L_overlay_start_2:
0xc7: {  	(tag) =	ssettag $0x2  }
0xc8: {  	s0 =	rddreg [dreg:$0x0];
	s2 =	stileid.u32  }
0xc9: {  	s1 =	rddreg [dreg:$0x1];
	p0 =	sne.s32 s2, $0x0  }
0xca: {  	s3 =	rddreg [dreg:$0x2];
	[bflag:$0x3] =	sbarrier.arrive $0xFFFF;
	s2 =	simm.s32 @!p0 $0x1C0B  }
0xcb: {  	[timem:s3], [sflag:s2] =	dma.local @!p0 [hbm:s0], s1  }
0xcc: {  	s0 =	simm.s32 @!p0 $0xB  }
0xcd: {  	_ =	swait.ge @!p0 [sflag:s0], s1  }
0xce: {  	s1 =	ssub.s32 @!p0 $0x0, s1;
	[sflag:s0] =	ssyncset.done @!p0 $0x0  }
0xcf: {  	[sflag:s0] =	ssyncadd.s32 @!p0 s1  }
0xd0: {  	[bflag:$0x3] =	sbarrier.arrive $0xFFFF  }
0xd1: {  	_ =	shalt  }

</sc_bundles>
